<compile_context>
chip_gen: v7x
topology: tpu7x:2x2x1
jax: 0.10.2.dev20260603
libtpu: 0.0.44.dev20260713+nightly
codegen_flags: <defaults>
</compile_context>

<pallas_src>
import functools

import jax
import jax.numpy as jnp
from jax import lax
from jax.experimental import pallas as pl
from jax.experimental.pallas import tpu as pltpu
from jax.experimental.pallas import tpu_sc as plsc


def _stage_a(g2_ref, g1_ref, x1sq_ref, x2sq_ref, f1_ref, w1a_ref,
             h1a_ref, idx_ref, wgt_ref, *, n2):
    g2 = g2_ref[0]
    g1 = g1_ref[0]
    cross = jax.lax.dot_general(g2, g1, (((0,), (0,)), ((), ())),
                                preferred_element_type=jnp.float32)
    x1sq = x1sq_ref[0, 0, :]
    d2 = (x2sq_ref[0] + x1sq[None, :]) - 2.0 * cross

    iota = jax.lax.broadcasted_iota(jnp.int32, d2.shape, 0)
    cur = d2
    mins, amins = [], []
    for _ in range(3):
        m = jnp.min(cur, axis=0)
        am = jnp.min(jnp.where(cur == m[None, :], iota, n2), axis=0)
        mins.append(m)
        amins.append(am)
        cur = jnp.where(iota == am[None, :], jnp.float32(3e38), cur)

    ws = [1.0 / (jnp.sqrt(jnp.maximum(m, 0.0)) + 1e-8) for m in mins]
    norm = ws[0] + ws[1] + ws[2]
    ws = [w / norm for w in ws]

    base = pl.program_id(0) * n2
    gz = jnp.zeros_like(amins[0])
    idx_ref[0] = jnp.stack([amins[0] + base, amins[1] + base,
                            amins[2] + base, gz, gz, gz, gz, gz])
    fz = jnp.zeros_like(ws[0])
    wgt_ref[0] = jnp.stack([ws[0], ws[1], ws[2], fz, fz, fz, fz, fz])

    h1a_ref[0] = jnp.dot(w1a_ref[...], f1_ref[0],
                         preferred_element_type=jnp.float32)


def _make_sc_interp(P, C2, CH):
    info = plsc.get_sparse_core_info()
    NC, NS = info.num_cores, info.num_subcores
    NW = NC * NS
    per_w = P // NW
    n_chunks = per_w // CH
    mesh = plsc.VectorSubcoreMesh(core_axis_name="c", subcore_axis_name="s")

    @functools.partial(
        pl.kernel, mesh=mesh,
        out_type=jax.ShapeDtypeStruct((P, C2), jnp.float32),
        scratch_types=[
            pltpu.VMEM((CH,), jnp.int32),
            pltpu.VMEM((CH,), jnp.int32),
            pltpu.VMEM((CH,), jnp.int32),
            pltpu.VMEM((CH, 16), jnp.float32),
            pltpu.VMEM((CH, 16), jnp.float32),
            pltpu.VMEM((CH, 16), jnp.float32),
            pltpu.VMEM((CH, C2), jnp.float32),
            pltpu.VMEM((CH, C2), jnp.float32),
            pltpu.VMEM((CH, C2), jnp.float32),
            pltpu.VMEM((CH, C2), jnp.float32),
            pltpu.SemaphoreType.DMA,
            pltpu.SemaphoreType.DMA,
            pltpu.SemaphoreType.DMA,
        ],
    )
    def sc_interp(t_hbm, i0_hbm, i1_hbm, i2_hbm, w0_hbm, w1_hbm, w2_hbm,
                  out_hbm, iv0, iv1, iv2, wv0, wv1, wv2,
                  r0, r1, r2, acc, s0, s1, s2):
        wid = lax.axis_index("s") * NC + lax.axis_index("c")
        base = wid * per_w

        @pl.loop(0, n_chunks)
        def _chunk(c):
            off = base + c * CH
            pltpu.sync_copy(i0_hbm.at[pl.ds(off, CH)], iv0)
            pltpu.sync_copy(i1_hbm.at[pl.ds(off, CH)], iv1)
            pltpu.sync_copy(i2_hbm.at[pl.ds(off, CH)], iv2)
            pltpu.sync_copy(w0_hbm.at[pl.ds(off, CH)], wv0)
            pltpu.sync_copy(w1_hbm.at[pl.ds(off, CH)], wv1)
            pltpu.sync_copy(w2_hbm.at[pl.ds(off, CH)], wv2)
            c0 = pltpu.async_copy(t_hbm.at[iv0], r0, s0)
            c1 = pltpu.async_copy(t_hbm.at[iv1], r1, s1)
            c2 = pltpu.async_copy(t_hbm.at[iv2], r2, s2)
            c0.wait()
            c1.wait()
            c2.wait()

            @pl.loop(0, CH)
            def _point(i):
                wa = wv0[i, :]
                wb = wv1[i, :]
                wc = wv2[i, :]
                for j in range(C2 // 16):
                    s = pl.ds(j * 16, 16)
                    acc[i, s] = wa * r0[i, s] + wb * r1[i, s] + wc * r2[i, s]

            pltpu.sync_copy(acc, out_hbm.at[pl.ds(off, CH)])

    return sc_interp


def _stage_b(h1a_ref, itp_ref, w1b_ref, h1_ref, s_ref, q_ref):
    h1 = h1a_ref[0] + jax.lax.dot_general(
        w1b_ref[...], itp_ref[0], (((1,), (1,)), ((), ())),
        preferred_element_type=jnp.float32)
    h1_ref[0] = h1
    psum = jnp.sum(h1, axis=1, keepdims=True)
    psq = jnp.sum(h1 * h1, axis=1, keepdims=True)
    first = pl.program_id(1) == 0

    @pl.when(first)
    def _():
        s_ref[0] = psum
        q_ref[0] = psq

    @pl.when(jnp.logical_not(first))
    def _():
        s_ref[0] += psum
        q_ref[0] += psq


def _stage_c(h1_ref, s_ref, q_ref, gam_ref, bet_ref, w2_ref,
             h2_ref, s2_ref, q2_ref, *, count):
    mean = jnp.sum(s_ref[...], axis=0) / count
    var = jnp.sum(q_ref[...], axis=0) / count - mean * mean
    scale = gam_ref[...] * jax.lax.rsqrt(var + 1e-5)
    shift = bet_ref[...] - mean * scale
    act = jnp.maximum(scale * h1_ref[0] + shift, 0.0)
    h2 = jnp.dot(w2_ref[...], act, preferred_element_type=jnp.float32)
    h2_ref[0] = h2
    psum = jnp.sum(h2, axis=1, keepdims=True)
    psq = jnp.sum(h2 * h2, axis=1, keepdims=True)
    first = pl.program_id(1) == 0

    @pl.when(first)
    def _():
        s2_ref[0] = psum
        q2_ref[0] = psq

    @pl.when(jnp.logical_not(first))
    def _():
        s2_ref[0] += psum
        q2_ref[0] += psq


def _stage_d(h2_ref, s_ref, q_ref, gam_ref, bet_ref, out_ref, *, count):
    mean = jnp.sum(s_ref[...], axis=0) / count
    var = jnp.sum(q_ref[...], axis=0) / count - mean * mean
    scale = gam_ref[...] * jax.lax.rsqrt(var + 1e-5)
    shift = bet_ref[...] - mean * scale
    out_ref[0] = jnp.maximum(scale * h2_ref[0] + shift, 0.0)


def kernel(xyz1, xyz2, features1, features2, W1, g1, b1, W2, g2, b2):
    B, N1, _ = xyz1.shape
    N2 = xyz2.shape[1]
    C1 = features1.shape[1]
    C2 = features2.shape[1]
    CO1 = W1.shape[0]
    CO2 = W2.shape[0]
    TN = 256
    NT = N1 // TN
    P = B * N1
    f32 = jnp.float32

    bf16 = jnp.bfloat16
    x1t = jnp.transpose(xyz1, (0, 2, 1)).astype(bf16)
    x2t = jnp.transpose(xyz2, (0, 2, 1)).astype(bf16)
    x1sq = jnp.sum(xyz1 ** 2, axis=-1)
    x2sq = jnp.sum(xyz2 ** 2, axis=-1)
    G1 = jnp.concatenate([x1t, jnp.zeros((B, 13, N1), bf16)], axis=1)
    G2 = jnp.concatenate([x2t, jnp.zeros((B, 13, N2), bf16)], axis=1)
    X1SQ = x1sq[:, None, :]
    X2SQ = x2sq[:, :, None]

    W1a = W1[:, :C1]
    W1b = W1[:, C1:]

    grid = (B, NT)
    params = pltpu.CompilerParams(
        dimension_semantics=("parallel", "arbitrary"))
    h1a, IDX, WGT = pl.pallas_call(
        functools.partial(_stage_a, n2=N2),
        grid=grid,
        in_specs=[
            pl.BlockSpec((1, 16, N2), lambda b, t: (b, 0, 0)),
            pl.BlockSpec((1, 16, TN), lambda b, t: (b, 0, t)),
            pl.BlockSpec((1, 1, TN), lambda b, t: (b, 0, t)),
            pl.BlockSpec((1, N2, 1), lambda b, t: (b, 0, 0)),
            pl.BlockSpec((1, C1, TN), lambda b, t: (b, 0, t)),
            pl.BlockSpec((CO1, C1), lambda b, t: (0, 0)),
        ],
        out_specs=[
            pl.BlockSpec((1, CO1, TN), lambda b, t: (b, 0, t)),
            pl.BlockSpec((1, 8, TN), lambda b, t: (b, 0, t)),
            pl.BlockSpec((1, 8, TN), lambda b, t: (b, 0, t)),
        ],
        out_shape=[
            jax.ShapeDtypeStruct((B, CO1, N1), f32),
            jax.ShapeDtypeStruct((B, 8, N1), jnp.int32),
            jax.ShapeDtypeStruct((B, 8, N1), f32),
        ],
        compiler_params=params,
    )(G2, G1, X1SQ, X2SQ, features1, W1a)

    table = jnp.transpose(features2, (0, 2, 1)).reshape(B * N2, C2)
    idx0 = IDX[:, 0, :].reshape(P)
    idx1 = IDX[:, 1, :].reshape(P)
    idx2 = IDX[:, 2, :].reshape(P)
    wb0 = jnp.broadcast_to(WGT[:, 0, :].reshape(P)[:, None], (P, 16))
    wb1 = jnp.broadcast_to(WGT[:, 1, :].reshape(P)[:, None], (P, 16))
    wb2 = jnp.broadcast_to(WGT[:, 2, :].reshape(P)[:, None], (P, 16))

    sc_interp = _make_sc_interp(P, C2, 64)
    interp = sc_interp(table, idx0, idx1, idx2, wb0, wb1, wb2)
    interp = interp.reshape(B, N1, C2)

    count = float(B * N1)
    h1, s1, q1 = pl.pallas_call(
        _stage_b,
        grid=grid,
        in_specs=[
            pl.BlockSpec((1, CO1, TN), lambda b, t: (b, 0, t)),
            pl.BlockSpec((1, TN, C2), lambda b, t: (b, t, 0)),
            pl.BlockSpec((CO1, C2), lambda b, t: (0, 0)),
        ],
        out_specs=[
            pl.BlockSpec((1, CO1, TN), lambda b, t: (b, 0, t)),
            pl.BlockSpec((1, CO1, 1), lambda b, t: (b, 0, 0)),
            pl.BlockSpec((1, CO1, 1), lambda b, t: (b, 0, 0)),
        ],
        out_shape=[
            jax.ShapeDtypeStruct((B, CO1, N1), f32),
            jax.ShapeDtypeStruct((B, CO1, 1), f32),
            jax.ShapeDtypeStruct((B, CO1, 1), f32),
        ],
        compiler_params=params,
    )(h1a, interp, W1b)

    h2, s2, q2 = pl.pallas_call(
        functools.partial(_stage_c, count=count),
        grid=grid,
        in_specs=[
            pl.BlockSpec((1, CO1, TN), lambda b, t: (b, 0, t)),
            pl.BlockSpec((B, CO1, 1), lambda b, t: (0, 0, 0)),
            pl.BlockSpec((B, CO1, 1), lambda b, t: (0, 0, 0)),
            pl.BlockSpec((CO1, 1), lambda b, t: (0, 0)),
            pl.BlockSpec((CO1, 1), lambda b, t: (0, 0)),
            pl.BlockSpec((CO2, CO1), lambda b, t: (0, 0)),
        ],
        out_specs=[
            pl.BlockSpec((1, CO2, TN), lambda b, t: (b, 0, t)),
            pl.BlockSpec((1, CO2, 1), lambda b, t: (b, 0, 0)),
            pl.BlockSpec((1, CO2, 1), lambda b, t: (b, 0, 0)),
        ],
        out_shape=[
            jax.ShapeDtypeStruct((B, CO2, N1), f32),
            jax.ShapeDtypeStruct((B, CO2, 1), f32),
            jax.ShapeDtypeStruct((B, CO2, 1), f32),
        ],
        compiler_params=params,
    )(h1, s1, q1, g1.reshape(CO1, 1), b1.reshape(CO1, 1), W2)

    out = pl.pallas_call(
        functools.partial(_stage_d, count=count),
        grid=grid,
        in_specs=[
            pl.BlockSpec((1, CO2, TN), lambda b, t: (b, 0, t)),
            pl.BlockSpec((B, CO2, 1), lambda b, t: (0, 0, 0)),
            pl.BlockSpec((B, CO2, 1), lambda b, t: (0, 0, 0)),
            pl.BlockSpec((CO2, 1), lambda b, t: (0, 0)),
            pl.BlockSpec((CO2, 1), lambda b, t: (0, 0)),
        ],
        out_specs=pl.BlockSpec((1, CO2, TN), lambda b, t: (b, 0, t)),
        out_shape=jax.ShapeDtypeStruct((B, CO2, N1), f32),
        compiler_params=params,
    )(h2, s2, q2, g2.reshape(CO2, 1), b2.reshape(CO2, 1))

    return out

# --- scband reference (transcript-rebuilt; emitter-appended) ---
"""Pipeline reference for scband-feature-propagation-64622077935822 (READ-ONLY COPY).

The authoritative reference and input builder live on the scoring server;
editing this copy changes nothing except your own understanding.
"""

import jax, jax.numpy as jnp
import numpy as np

B, N1, N2, C1, C2 = 8, 4096, 1024, 128, 256


def setup_inputs(seed: int = 0) -> dict:
    key = jax.random.key(seed)
    ks = jax.random.split(key, 6)
    return {
        "xyz1": jax.random.normal(ks[0], (B, N1, 3), dtype=jnp.float32),
        "xyz2": jax.random.normal(ks[1], (B, N2, 3), dtype=jnp.float32),
        "features1": jax.random.normal(ks[2], (B, C1, N1), dtype=jnp.float32),
        "features2": jax.random.normal(ks[3], (B, C2, N2), dtype=jnp.float32),
        "W1": jax.random.normal(ks[4], (256, C1 + C2), dtype=jnp.float32) * 0.05,
        "g1": jnp.ones((256,), dtype=jnp.float32),
        "b1": jnp.zeros((256,), dtype=jnp.float32),
        "W2": jax.random.normal(ks[5], (128, 256), dtype=jnp.float32) * 0.05,
        "g2": jnp.ones((128,), dtype=jnp.float32),
        "b2": jnp.zeros((128,), dtype=jnp.float32),
    }


def _bn_relu(x, g, b):
    # BatchNorm1d in training mode: batch stats over (batch, spatial)
    mean = x.mean(axis=(0, 2), keepdims=True)
    var = x.var(axis=(0, 2), keepdims=True)
    xn = (x - mean) / jnp.sqrt(var + 1e-5)
    return jax.nn.relu(xn * g[None, :, None] + b[None, :, None])


def _forward(xyz1, xyz2, features1, features2, W1, g1, b1, W2, g2, b2):
    # three_interpolate: cdist(xyz1 (dst), xyz2 (src)) -> [B, N1, N2]
    d2 = (
        jnp.sum(xyz1 ** 2, axis=-1)[:, :, None]
        + jnp.sum(xyz2 ** 2, axis=-1)[:, None, :]
        - 2.0 * jnp.einsum('bid,bjd->bij', xyz1, xyz2)
    )
    dist = jnp.sqrt(jnp.maximum(d2, 0.0))
    neg, idx = jax.lax.top_k(-dist, 3)  # 3 smallest distances
    dists = -neg
    w = 1.0 / (dists + 1e-8)
    w = w / jnp.sum(w, axis=-1, keepdims=True)
    feat2_t = jnp.transpose(features2, (0, 2, 1))  # [B, N2, C2]
    bidx = jnp.arange(feat2_t.shape[0])[:, None, None]
    gathered = feat2_t[bidx, idx]  # [B, N1, 3, C2]
    interp = jnp.sum(gathered * w[..., None], axis=2)  # [B, N1, C2]
    interp = jnp.transpose(interp, (0, 2, 1))  # [B, C2, N1]
    fused = jnp.concatenate([features1, interp], axis=1)  # [B, C1+C2, N1]
    h = jnp.einsum('bcn,oc->bon', fused, W1)
    h = _bn_relu(h, g1, b1)
    h = jnp.einsum('bcn,oc->bon', h, W2)
    h = _bn_relu(h, g2, b2)
    return h


def reference(xyz1, xyz2, features1, features2, W1, g1, b1, W2, g2, b2):
    return _forward(xyz1, xyz2, features1, features2, W1, g1, b1, W2, g2, b2)

if __name__ == "__main__":
    import jax
    _d = setup_inputs()
    print(jax.jit(kernel)(*tuple(_d.values())))

</pallas_src>

<mosaic_0001>
#map = affine_map<(d0, d1) -> (0, 0)>
#map1 = affine_map<(d0, d1) -> (0)>
module attributes {stable_mosaic.version = 14 : i64} {
  func.func @sc_interp(%arg0: i32, %arg1: i32, %arg2: memref<8192x256xf32, #tpu.memory_space<hbm>>, %arg3: memref<32768xi32, #tpu.memory_space<hbm>>, %arg4: memref<32768xi32, #tpu.memory_space<hbm>>, %arg5: memref<32768xi32, #tpu.memory_space<hbm>>, %arg6: memref<32768x16xf32, #tpu.memory_space<hbm>>, %arg7: memref<32768x16xf32, #tpu.memory_space<hbm>>, %arg8: memref<32768x16xf32, #tpu.memory_space<hbm>>, %arg9: memref<32768x256xf32, #tpu.memory_space<hbm>>, %arg10: memref<64xi32, #tpu.memory_space<vmem>>, %arg11: memref<64xi32, #tpu.memory_space<vmem>>, %arg12: memref<64xi32, #tpu.memory_space<vmem>>, %arg13: memref<64x16xf32, #tpu.memory_space<vmem>>, %arg14: memref<64x16xf32, #tpu.memory_space<vmem>>, %arg15: memref<64x16xf32, #tpu.memory_space<vmem>>, %arg16: memref<64x256xf32, #tpu.memory_space<vmem>>, %arg17: memref<64x256xf32, #tpu.memory_space<vmem>>, %arg18: memref<64x256xf32, #tpu.memory_space<vmem>>, %arg19: memref<64x256xf32, #tpu.memory_space<vmem>>, %arg20: memref<!tpu.dma_semaphore, #tpu.memory_space<semaphore_mem>>, %arg21: memref<!tpu.dma_semaphore, #tpu.memory_space<semaphore_mem>>, %arg22: memref<!tpu.dma_semaphore, #tpu.memory_space<semaphore_mem>>) attributes {dimension_semantics = [#tpu.dimension_semantics<core_parallel>, #tpu.dimension_semantics<subcore_parallel>], iteration_bounds = array<i64: 2, 16>, scalar_prefetch = 0 : i64, scratch_operands = 13 : i64, tpu.core_type = #tpu.core_type<sc_vector_subcore>, window_params = [{transform_indices = #map}, {transform_indices = #map1}, {transform_indices = #map1}, {transform_indices = #map1}, {transform_indices = #map}, {transform_indices = #map}, {transform_indices = #map}, {transform_indices = #map}]} {
    %mul3A = arith.constant 2 : i32
    %mul3A_0 = arith.muli %arg1, %mul3A : i32
    %add3A = arith.addi %mul3A_0, %arg0 : i32
    %mul3A_1 = arith.constant 1024 : i32
    %mul3A_2 = arith.muli %add3A, %mul3A_1 : i32
    %scan3A = arith.constant 0 : i32
    %scan3A_3 = arith.constant 16 : i32
    %scan3A_4 = arith.addi %scan3A, %scan3A_3 : i32
    %scan3A_5 = arith.constant 1 : i32
    scf.for %scan3A_7 = %scan3A to %scan3A_4 step %scan3A_5  : i32 {
      %mul3A_8 = arith.constant 1 : i32
      %mul3A_9 = arith.muli %scan3A_7, %mul3A_8 : i32
      %add3A_10 = arith.constant 0 : i32
      %add3A_11 = arith.addi %add3A_10, %mul3A_9 : i32
      %mul3A_12 = arith.constant 64 : i32
      %mul3A_13 = arith.muli %add3A_11, %mul3A_12 : i32
      %add3A_14 = arith.addi %mul3A_2, %mul3A_13 : i32
      "tpu.region"() ({
        %run_scoped3A = tpu.sem_alloc : memref<!tpu.dma_semaphore, #tpu.memory_space<semaphore_mem>>
        %dma_start3A_36 = tpu.memref_slice %arg3[%add3A_14] : memref<32768xi32, #tpu.memory_space<hbm>> -> memref<64xi32, #tpu.memory_space<hbm>>
        %dma_start3A_37 = tpu.memref_slice %arg3[%add3A_14] : memref<32768xi32, #tpu.memory_space<hbm>> -> memref<64xi32, #tpu.memory_space<hbm>>
        tpu.enqueue_dma source(%dma_start3A_37 : memref<64xi32, #tpu.memory_space<hbm>>) target(%arg10 : memref<64xi32, #tpu.memory_space<vmem>>) target_semaphore(%run_scoped3A : memref<!tpu.dma_semaphore, #tpu.memory_space<semaphore_mem>>)
        %dma_wait3A_38 = tpu.memref_slice %arg3[%add3A_14] : memref<32768xi32, #tpu.memory_space<hbm>> -> memref<64xi32, #tpu.memory_space<hbm>>
        %dma_wait3A_39 = tpu.memref_slice %arg3[%add3A_14] : memref<32768xi32, #tpu.memory_space<hbm>> -> memref<64xi32, #tpu.memory_space<hbm>>
        tpu.wait_dma2 semaphore(%run_scoped3A : memref<!tpu.dma_semaphore, #tpu.memory_space<semaphore_mem>>) src(%dma_wait3A_39 : memref<64xi32, #tpu.memory_space<hbm>>) dst(%arg10 : memref<64xi32, #tpu.memory_space<vmem>>)
        tpu.yield
      }) : () -> ()
      "tpu.region"() ({
        %run_scoped3A = tpu.sem_alloc : memref<!tpu.dma_semaphore, #tpu.memory_space<semaphore_mem>>
        %dma_start3A_36 = tpu.memref_slice %arg4[%add3A_14] : memref<32768xi32, #tpu.memory_space<hbm>> -> memref<64xi32, #tpu.memory_space<hbm>>
        %dma_start3A_37 = tpu.memref_slice %arg4[%add3A_14] : memref<32768xi32, #tpu.memory_space<hbm>> -> memref<64xi32, #tpu.memory_space<hbm>>
        tpu.enqueue_dma source(%dma_start3A_37 : memref<64xi32, #tpu.memory_space<hbm>>) target(%arg11 : memref<64xi32, #tpu.memory_space<vmem>>) target_semaphore(%run_scoped3A : memref<!tpu.dma_semaphore, #tpu.memory_space<semaphore_mem>>)
        %dma_wait3A_38 = tpu.memref_slice %arg4[%add3A_14] : memref<32768xi32, #tpu.memory_space<hbm>> -> memref<64xi32, #tpu.memory_space<hbm>>
        %dma_wait3A_39 = tpu.memref_slice %arg4[%add3A_14] : memref<32768xi32, #tpu.memory_space<hbm>> -> memref<64xi32, #tpu.memory_space<hbm>>
        tpu.wait_dma2 semaphore(%run_scoped3A : memref<!tpu.dma_semaphore, #tpu.memory_space<semaphore_mem>>) src(%dma_wait3A_39 : memref<64xi32, #tpu.memory_space<hbm>>) dst(%arg11 : memref<64xi32, #tpu.memory_space<vmem>>)
        tpu.yield
      }) : () -> ()
      "tpu.region"() ({
        %run_scoped3A = tpu.sem_alloc : memref<!tpu.dma_semaphore, #tpu.memory_space<semaphore_mem>>
        %dma_start3A_36 = tpu.memref_slice %arg5[%add3A_14] : memref<32768xi32, #tpu.memory_space<hbm>> -> memref<64xi32, #tpu.memory_space<hbm>>
        %dma_start3A_37 = tpu.memref_slice %arg5[%add3A_14] : memref<32768xi32, #tpu.memory_space<hbm>> -> memref<64xi32, #tpu.memory_space<hbm>>
        tpu.enqueue_dma source(%dma_start3A_37 : memref<64xi32, #tpu.memory_space<hbm>>) target(%arg12 : memref<64xi32, #tpu.memory_space<vmem>>) target_semaphore(%run_scoped3A : memref<!tpu.dma_semaphore, #tpu.memory_space<semaphore_mem>>)
        %dma_wait3A_38 = tpu.memref_slice %arg5[%add3A_14] : memref<32768xi32, #tpu.memory_space<hbm>> -> memref<64xi32, #tpu.memory_space<hbm>>
        %dma_wait3A_39 = tpu.memref_slice %arg5[%add3A_14] : memref<32768xi32, #tpu.memory_space<hbm>> -> memref<64xi32, #tpu.memory_space<hbm>>
        tpu.wait_dma2 semaphore(%run_scoped3A : memref<!tpu.dma_semaphore, #tpu.memory_space<semaphore_mem>>) src(%dma_wait3A_39 : memref<64xi32, #tpu.memory_space<hbm>>) dst(%arg12 : memref<64xi32, #tpu.memory_space<vmem>>)
        tpu.yield
      }) : () -> ()
      "tpu.region"() ({
        %run_scoped3A = tpu.sem_alloc : memref<!tpu.dma_semaphore, #tpu.memory_space<semaphore_mem>>
        %dma_start3A_36 = arith.constant 0 : i32
        %dma_start3A_37 = tpu.memref_slice %arg6[%add3A_14, %dma_start3A_36] : memref<32768x16xf32, #tpu.memory_space<hbm>> -> memref<64x16xf32, #tpu.memory_space<hbm>>
        %dma_start3A_38 = arith.constant 0 : i32
        %dma_start3A_39 = tpu.memref_slice %arg6[%add3A_14, %dma_start3A_38] : memref<32768x16xf32, #tpu.memory_space<hbm>> -> memref<64x16xf32, #tpu.memory_space<hbm>>
        tpu.enqueue_dma source(%dma_start3A_39 : memref<64x16xf32, #tpu.memory_space<hbm>>) target(%arg13 : memref<64x16xf32, #tpu.memory_space<vmem>>) target_semaphore(%run_scoped3A : memref<!tpu.dma_semaphore, #tpu.memory_space<semaphore_mem>>)
        %dma_wait3A_40 = arith.constant 0 : i32
        %dma_wait3A_41 = tpu.memref_slice %arg6[%add3A_14, %dma_wait3A_40] : memref<32768x16xf32, #tpu.memory_space<hbm>> -> memref<64x16xf32, #tpu.memory_space<hbm>>
        %dma_wait3A_42 = arith.constant 0 : i32
        %dma_wait3A_43 = tpu.memref_slice %arg6[%add3A_14, %dma_wait3A_42] : memref<32768x16xf32, #tpu.memory_space<hbm>> -> memref<64x16xf32, #tpu.memory_space<hbm>>
        tpu.wait_dma2 semaphore(%run_scoped3A : memref<!tpu.dma_semaphore, #tpu.memory_space<semaphore_mem>>) src(%dma_wait3A_43 : memref<64x16xf32, #tpu.memory_space<hbm>>) dst(%arg13 : memref<64x16xf32, #tpu.memory_space<vmem>>)
        tpu.yield
      }) : () -> ()
      "tpu.region"() ({
        %run_scoped3A = tpu.sem_alloc : memref<!tpu.dma_semaphore, #tpu.memory_space<semaphore_mem>>
        %dma_start3A_36 = arith.constant 0 : i32
        %dma_start3A_37 = tpu.memref_slice %arg7[%add3A_14, %dma_start3A_36] : memref<32768x16xf32, #tpu.memory_space<hbm>> -> memref<64x16xf32, #tpu.memory_space<hbm>>
        %dma_start3A_38 = arith.constant 0 : i32
        %dma_start3A_39 = tpu.memref_slice %arg7[%add3A_14, %dma_start3A_38] : memref<32768x16xf32, #tpu.memory_space<hbm>> -> memref<64x16xf32, #tpu.memory_space<hbm>>
        tpu.enqueue_dma source(%dma_start3A_39 : memref<64x16xf32, #tpu.memory_space<hbm>>) target(%arg14 : memref<64x16xf32, #tpu.memory_space<vmem>>) target_semaphore(%run_scoped3A : memref<!tpu.dma_semaphore, #tpu.memory_space<semaphore_mem>>)
        %dma_wait3A_40 = arith.constant 0 : i32
        %dma_wait3A_41 = tpu.memref_slice %arg7[%add3A_14, %dma_wait3A_40] : memref<32768x16xf32, #tpu.memory_space<hbm>> -> memref<64x16xf32, #tpu.memory_space<hbm>>
        %dma_wait3A_42 = arith.constant 0 : i32
        %dma_wait3A_43 = tpu.memref_slice %arg7[%add3A_14, %dma_wait3A_42] : memref<32768x16xf32, #tpu.memory_space<hbm>> -> memref<64x16xf32, #tpu.memory_space<hbm>>
        tpu.wait_dma2 semaphore(%run_scoped3A : memref<!tpu.dma_semaphore, #tpu.memory_space<semaphore_mem>>) src(%dma_wait3A_43 : memref<64x16xf32, #tpu.memory_space<hbm>>) dst(%arg14 : memref<64x16xf32, #tpu.memory_space<vmem>>)
        tpu.yield
      }) : () -> ()
      "tpu.region"() ({
        %run_scoped3A = tpu.sem_alloc : memref<!tpu.dma_semaphore, #tpu.memory_space<semaphore_mem>>
        %dma_start3A_36 = arith.constant 0 : i32
        %dma_start3A_37 = tpu.memref_slice %arg8[%add3A_14, %dma_start3A_36] : memref<32768x16xf32, #tpu.memory_space<hbm>> -> memref<64x16xf32, #tpu.memory_space<hbm>>
        %dma_start3A_38 = arith.constant 0 : i32
        %dma_start3A_39 = tpu.memref_slice %arg8[%add3A_14, %dma_start3A_38] : memref<32768x16xf32, #tpu.memory_space<hbm>> -> memref<64x16xf32, #tpu.memory_space<hbm>>
        tpu.enqueue_dma source(%dma_start3A_39 : memref<64x16xf32, #tpu.memory_space<hbm>>) target(%arg15 : memref<64x16xf32, #tpu.memory_space<vmem>>) target_semaphore(%run_scoped3A : memref<!tpu.dma_semaphore, #tpu.memory_space<semaphore_mem>>)
        %dma_wait3A_40 = arith.constant 0 : i32
        %dma_wait3A_41 = tpu.memref_slice %arg8[%add3A_14, %dma_wait3A_40] : memref<32768x16xf32, #tpu.memory_space<hbm>> -> memref<64x16xf32, #tpu.memory_space<hbm>>
        %dma_wait3A_42 = arith.constant 0 : i32
        %dma_wait3A_43 = tpu.memref_slice %arg8[%add3A_14, %dma_wait3A_42] : memref<32768x16xf32, #tpu.memory_space<hbm>> -> memref<64x16xf32, #tpu.memory_space<hbm>>
        tpu.wait_dma2 semaphore(%run_scoped3A : memref<!tpu.dma_semaphore, #tpu.memory_space<semaphore_mem>>) src(%dma_wait3A_43 : memref<64x16xf32, #tpu.memory_space<hbm>>) dst(%arg15 : memref<64x16xf32, #tpu.memory_space<vmem>>)
        tpu.yield
      }) : () -> ()
      %dma_start3A = arith.constant 0 : i32
      %dma_start3A_15 = arith.constant 0 : i32
      %dma_start3A_16 = tpu.memref_slice %arg2[%dma_start3A, %dma_start3A_15] : memref<8192x256xf32, #tpu.memory_space<hbm>> -> memref<8192x256xf32, #tpu.memory_space<hbm>>
      tpu.enqueue_indirect_dma source(%dma_start3A_16 : memref<8192x256xf32, #tpu.memory_space<hbm>>) target(%arg16 : memref<64x256xf32, #tpu.memory_space<vmem>>) offsets(%arg10 : memref<64xi32, #tpu.memory_space<vmem>>) semaphore(%arg20 : memref<!tpu.dma_semaphore, #tpu.memory_space<semaphore_mem>>)
      %dma_start3A_17 = arith.constant 0 : i32
      %dma_start3A_18 = arith.constant 0 : i32
      %dma_start3A_19 = tpu.memref_slice %arg2[%dma_start3A_17, %dma_start3A_18] : memref<8192x256xf32, #tpu.memory_space<hbm>> -> memref<8192x256xf32, #tpu.memory_space<hbm>>
      tpu.enqueue_indirect_dma source(%dma_start3A_19 : memref<8192x256xf32, #tpu.memory_space<hbm>>) target(%arg17 : memref<64x256xf32, #tpu.memory_space<vmem>>) offsets(%arg11 : memref<64xi32, #tpu.memory_space<vmem>>) semaphore(%arg21 : memref<!tpu.dma_semaphore, #tpu.memory_space<semaphore_mem>>)
      %dma_start3A_20 = arith.constant 0 : i32
      %dma_start3A_21 = arith.constant 0 : i32
      %dma_start3A_22 = tpu.memref_slice %arg2[%dma_start3A_20, %dma_start3A_21] : memref<8192x256xf32, #tpu.memory_space<hbm>> -> memref<8192x256xf32, #tpu.memory_space<hbm>>
      tpu.enqueue_indirect_dma source(%dma_start3A_22 : memref<8192x256xf32, #tpu.memory_space<hbm>>) target(%arg18 : memref<64x256xf32, #tpu.memory_space<vmem>>) offsets(%arg12 : memref<64xi32, #tpu.memory_space<vmem>>) semaphore(%arg22 : memref<!tpu.dma_semaphore, #tpu.memory_space<semaphore_mem>>)
      %dma_wait3A = arith.constant 0 : i32
      %dma_wait3A_23 = arith.constant 0 : i32
      %dma_wait3A_24 = tpu.memref_slice %arg2[%dma_wait3A, %dma_wait3A_23] : memref<8192x256xf32, #tpu.memory_space<hbm>> -> memref<8192x256xf32, #tpu.memory_space<hbm>>
      tpu.wait_indirect_dma semaphore(%arg20 : memref<!tpu.dma_semaphore, #tpu.memory_space<semaphore_mem>>) src(%dma_wait3A_24 : memref<8192x256xf32, #tpu.memory_space<hbm>>) dst(%arg16 : memref<64x256xf32, #tpu.memory_space<vmem>>)
      %dma_wait3A_25 = arith.constant 0 : i32
      %dma_wait3A_26 = arith.constant 0 : i32
      %dma_wait3A_27 = tpu.memref_slice %arg2[%dma_wait3A_25, %dma_wait3A_26] : memref<8192x256xf32, #tpu.memory_space<hbm>> -> memref<8192x256xf32, #tpu.memory_space<hbm>>
      tpu.wait_indirect_dma semaphore(%arg21 : memref<!tpu.dma_semaphore, #tpu.memory_space<semaphore_mem>>) src(%dma_wait3A_27 : memref<8192x256xf32, #tpu.memory_space<hbm>>) dst(%arg17 : memref<64x256xf32, #tpu.memory_space<vmem>>)
      %dma_wait3A_28 = arith.constant 0 : i32
      %dma_wait3A_29 = arith.constant 0 : i32
      %dma_wait3A_30 = tpu.memref_slice %arg2[%dma_wait3A_28, %dma_wait3A_29] : memref<8192x256xf32, #tpu.memory_space<hbm>> -> memref<8192x256xf32, #tpu.memory_space<hbm>>
      tpu.wait_indirect_dma semaphore(%arg22 : memref<!tpu.dma_semaphore, #tpu.memory_space<semaphore_mem>>) src(%dma_wait3A_30 : memref<8192x256xf32, #tpu.memory_space<hbm>>) dst(%arg18 : memref<64x256xf32, #tpu.memory_space<vmem>>)
      %scan3A_31 = arith.constant 0 : i32
      %scan3A_32 = arith.constant 64 : i32
      %scan3A_33 = arith.addi %scan3A_31, %scan3A_32 : i32
      %scan3A_34 = arith.constant 1 : i32
      scf.for %scan3A_36 = %scan3A_31 to %scan3A_33 step %scan3A_34  : i32 {
        %mul3A_37 = arith.constant 1 : i32
        %mul3A_38 = arith.muli %scan3A_36, %mul3A_37 : i32
        %add3A_39 = arith.constant 0 : i32
        %add3A_40 = arith.addi %add3A_39, %mul3A_38 : i32
        %get3A = arith.index_cast %add3A_40 : i32 to index
        %get3A_41 = arith.constant 0 : index
        %get3A_42 = tpu.vector_load %arg13[%get3A, %get3A_41] {strides = array<i32>} : memref<64x16xf32, #tpu.memory_space<vmem>>, vector<1x16xf32>,
        %get3A_43 = vector.shape_cast %get3A_42 : vector<1x16xf32> to vector<16xf32>
        %get3A_44 = arith.index_cast %add3A_40 : i32 to index
        %get3A_45 = arith.constant 0 : index
        %get3A_46 = tpu.vector_load %arg14[%get3A_44, %get3A_45] {strides = array<i32>} : memref<64x16xf32, #tpu.memory_space<vmem>>, vector<1x16xf32>,
        %get3A_47 = vector.shape_cast %get3A_46 : vector<1x16xf32> to vector<16xf32>
        %get3A_48 = arith.index_cast %add3A_40 : i32 to index
        %get3A_49 = arith.constant 0 : index
        %get3A_50 = tpu.vector_load %arg15[%get3A_48, %get3A_49] {strides = array<i32>} : memref<64x16xf32, #tpu.memory_space<vmem>>, vector<1x16xf32>,
        %get3A_51 = vector.shape_cast %get3A_50 : vector<1x16xf32> to vector<16xf32>
        %get3A_52 = arith.index_cast %add3A_40 : i32 to index
        %get3A_53 = arith.constant 0 : index
        %get3A_54 = tpu.vector_load %arg16[%get3A_52, %get3A_53] {strides = array<i32>} : memref<64x256xf32, #tpu.memory_space<vmem>>, vector<1x16xf32>,
        %get3A_55 = vector.shape_cast %get3A_54 : vector<1x16xf32> to vector<16xf32>
        %mul3A_56 = arith.mulf %get3A_43, %get3A_55 : vector<16xf32>
        %get3A_57 = arith.index_cast %add3A_40 : i32 to index
        %get3A_58 = arith.constant 0 : index
        %get3A_59 = tpu.vector_load %arg17[%get3A_57, %get3A_58] {strides = array<i32>} : memref<64x256xf32, #tpu.memory_space<vmem>>, vector<1x16xf32>,
        %get3A_60 = vector.shape_cast %get3A_59 : vector<1x16xf32> to vector<16xf32>
        %mul3A_61 = arith.mulf %get3A_47, %get3A_60 : vector<16xf32>
        %add3A_62 = arith.addf %mul3A_56, %mul3A_61 : vector<16xf32>
        %get3A_63 = arith.index_cast %add3A_40 : i32 to index
        %get3A_64 = arith.constant 0 : index
        %get3A_65 = tpu.vector_load %arg18[%get3A_63, %get3A_64] {strides = array<i32>} : memref<64x256xf32, #tpu.memory_space<vmem>>, vector<1x16xf32>,
        %get3A_66 = vector.shape_cast %get3A_65 : vector<1x16xf32> to vector<16xf32>
        %mul3A_67 = arith.mulf %get3A_51, %get3A_66 : vector<16xf32>
        %add3A_68 = arith.addf %add3A_62, %mul3A_67 : vector<16xf32>
        %swap3A = arith.index_cast %add3A_40 : i32 to index
        %swap3A_69 = arith.constant 0 : index
        %swap3A_70 = tpu.vector_load %arg19[%swap3A, %swap3A_69] {strides = array<i32>} : memref<64x256xf32, #tpu.memory_space<vmem>>, vector<1x16xf32>,
        %swap3A_71 = vector.shape_cast %swap3A_70 : vector<1x16xf32> to vector<16xf32>
        %swap3A_72 = vector.shape_cast %add3A_68 : vector<16xf32> to vector<1x16xf32>
        tpu.vector_store %arg19[%swap3A, %swap3A_69], %swap3A_72 {strides = array<i32>} : memref<64x256xf32, #tpu.memory_space<vmem>>, vector<1x16xf32>,
        %get3A_73 = arith.index_cast %add3A_40 : i32 to index
        %get3A_74 = arith.constant 16 : index
        %get3A_75 = tpu.vector_load %arg16[%get3A_73, %get3A_74] {strides = array<i32>} : memref<64x256xf32, #tpu.memory_space<vmem>>, vector<1x16xf32>,
        %get3A_76 = vector.shape_cast %get3A_75 : vector<1x16xf32> to vector<16xf32>
        %mul3A_77 = arith.mulf %get3A_43, %get3A_76 : vector<16xf32>
        %get3A_78 = arith.index_cast %add3A_40 : i32 to index
        %get3A_79 = arith.constant 16 : index
        %get3A_80 = tpu.vector_load %arg17[%get3A_78, %get3A_79] {strides = array<i32>} : memref<64x256xf32, #tpu.memory_space<vmem>>, vector<1x16xf32>,
        %get3A_81 = vector.shape_cast %get3A_80 : vector<1x16xf32> to vector<16xf32>
        %mul3A_82 = arith.mulf %get3A_47, %get3A_81 : vector<16xf32>
        %add3A_83 = arith.addf %mul3A_77, %mul3A_82 : vector<16xf32>
        %get3A_84 = arith.index_cast %add3A_40 : i32 to index
        %get3A_85 = arith.constant 16 : index
        %get3A_86 = tpu.vector_load %arg18[%get3A_84, %get3A_85] {strides = array<i32>} : memref<64x256xf32, #tpu.memory_space<vmem>>, vector<1x16xf32>,
        %get3A_87 = vector.shape_cast %get3A_86 : vector<1x16xf32> to vector<16xf32>
        %mul3A_88 = arith.mulf %get3A_51, %get3A_87 : vector<16xf32>
        %add3A_89 = arith.addf %add3A_83, %mul3A_88 : vector<16xf32>
        %swap3A_90 = arith.index_cast %add3A_40 : i32 to index
        %swap3A_91 = arith.constant 16 : index
        %swap3A_92 = tpu.vector_load %arg19[%swap3A_90, %swap3A_91] {strides = array<i32>} : memref<64x256xf32, #tpu.memory_space<vmem>>, vector<1x16xf32>,
        %swap3A_93 = vector.shape_cast %swap3A_92 : vector<1x16xf32> to vector<16xf32>
        %swap3A_94 = vector.shape_cast %add3A_89 : vector<16xf32> to vector<1x16xf32>
        tpu.vector_store %arg19[%swap3A_90, %swap3A_91], %swap3A_94 {strides = array<i32>} : memref<64x256xf32, #tpu.memory_space<vmem>>, vector<1x16xf32>,
        %get3A_95 = arith.index_cast %add3A_40 : i32 to index
        %get3A_96 = arith.constant 32 : index
        %get3A_97 = tpu.vector_load %arg16[%get3A_95, %get3A_96] {strides = array<i32>} : memref<64x256xf32, #tpu.memory_space<vmem>>, vector<1x16xf32>,
        %get3A_98 = vector.shape_cast %get3A_97 : vector<1x16xf32> to vector<16xf32>
        %mul3A_99 = arith.mulf %get3A_43, %get3A_98 : vector<16xf32>
        %get3A_100 = arith.index_cast %add3A_40 : i32 to index
        %get3A_101 = arith.constant 32 : index
        %get3A_102 = tpu.vector_load %arg17[%get3A_100, %get3A_101] {strides = array<i32>} : memref<64x256xf32, #tpu.memory_space<vmem>>, vector<1x16xf32>,
        %get3A_103 = vector.shape_cast %get3A_102 : vector<1x16xf32> to vector<16xf32>
        %mul3A_104 = arith.mulf %get3A_47, %get3A_103 : vector<16xf32>
        %add3A_105 = arith.addf %mul3A_99, %mul3A_104 : vector<16xf32>
        %get3A_106 = arith.index_cast %add3A_40 : i32 to index
        %get3A_107 = arith.constant 32 : index
        %get3A_108 = tpu.vector_load %arg18[%get3A_106, %get3A_107] {strides = array<i32>} : memref<64x256xf32, #tpu.memory_space<vmem>>, vector<1x16xf32>,
        %get3A_109 = vector.shape_cast %get3A_108 : vector<1x16xf32> to vector<16xf32>
        %mul3A_110 = arith.mulf %get3A_51, %get3A_109 : vector<16xf32>
        %add3A_111 = arith.addf %add3A_105, %mul3A_110 : vector<16xf32>
        %swap3A_112 = arith.index_cast %add3A_40 : i32 to index
        %swap3A_113 = arith.constant 32 : index
        %swap3A_114 = tpu.vector_load %arg19[%swap3A_112, %swap3A_113] {strides = array<i32>} : memref<64x256xf32, #tpu.memory_space<vmem>>, vector<1x16xf32>,
        %swap3A_115 = vector.shape_cast %swap3A_114 : vector<1x16xf32> to vector<16xf32>
        %swap3A_116 = vector.shape_cast %add3A_111 : vector<16xf32> to vector<1x16xf32>
        tpu.vector_store %arg19[%swap3A_112, %swap3A_113], %swap3A_116 {strides = array<i32>} : memref<64x256xf32, #tpu.memory_space<vmem>>, vector<1x16xf32>,
        %get3A_117 = arith.index_cast %add3A_40 : i32 to index
        %get3A_118 = arith.constant 48 : index
        %get3A_119 = tpu.vector_load %arg16[%get3A_117, %get3A_118] {strides = array<i32>} : memref<64x256xf32, #tpu.memory_space<vmem>>, vector<1x16xf32>,
        %get3A_120 = vector.shape_cast %get3A_119 : vector<1x16xf32> to vector<16xf32>
        %mul3A_121 = arith.mulf %get3A_43, %get3A_120 : vector<16xf32>
        %get3A_122 = arith.index_cast %add3A_40 : i32 to index
        %get3A_123 = arith.constant 48 : index
        %get3A_124 = tpu.vector_load %arg17[%get3A_122, %get3A_123] {strides = array<i32>} : memref<64x256xf32, #tpu.memory_space<vmem>>, vector<1x16xf32>,
        %get3A_125 = vector.shape_cast %get3A_124 : vector<1x16xf32> to vector<16xf32>
        %mul3A_126 = arith.mulf %get3A_47, %get3A_125 : vector<16xf32>
        %add3A_127 = arith.addf %mul3A_121, %mul3A_126 : vector<16xf32>
        %get3A_128 = arith.index_cast %add3A_40 : i32 to index
        %get3A_129 = arith.constant 48 : index
        %get3A_130 = tpu.vector_load %arg18[%get3A_128, %get3A_129] {strides = array<i32>} : memref<64x256xf32, #tpu.memory_space<vmem>>, vector<1x16xf32>,
        %get3A_131 = vector.shape_cast %get3A_130 : vector<1x16xf32> to vector<16xf32>
        %mul3A_132 = arith.mulf %get3A_51, %get3A_131 : vector<16xf32>
        %add3A_133 = arith.addf %add3A_127, %mul3A_132 : vector<16xf32>
        %swap3A_134 = arith.index_cast %add3A_40 : i32 to index
        %swap3A_135 = arith.constant 48 : index
        %swap3A_136 = tpu.vector_load %arg19[%swap3A_134, %swap3A_135] {strides = array<i32>} : memref<64x256xf32, #tpu.memory_space<vmem>>, vector<1x16xf32>,
        %swap3A_137 = vector.shape_cast %swap3A_136 : vector<1x16xf32> to vector<16xf32>
        %swap3A_138 = vector.shape_cast %add3A_133 : vector<16xf32> to vector<1x16xf32>
        tpu.vector_store %arg19[%swap3A_134, %swap3A_135], %swap3A_138 {strides = array<i32>} : memref<64x256xf32, #tpu.memory_space<vmem>>, vector<1x16xf32>,
        %get3A_139 = arith.index_cast %add3A_40 : i32 to index
        %get3A_140 = arith.constant 64 : index
        %get3A_141 = tpu.vector_load %arg16[%get3A_139, %get3A_140] {strides = array<i32>} : memref<64x256xf32, #tpu.memory_space<vmem>>, vector<1x16xf32>,
        %get3A_142 = vector.shape_cast %get3A_141 : vector<1x16xf32> to vector<16xf32>
        %mul3A_143 = arith.mulf %get3A_43, %get3A_142 : vector<16xf32>
        %get3A_144 = arith.index_cast %add3A_40 : i32 to index
        %get3A_145 = arith.constant 64 : index
        %get3A_146 = tpu.vector_load %arg17[%get3A_144, %get3A_145] {strides = array<i32>} : memref<64x256xf32, #tpu.memory_space<vmem>>, vector<1x16xf32>,
        %get3A_147 = vector.shape_cast %get3A_146 : vector<1x16xf32> to vector<16xf32>
        %mul3A_148 = arith.mulf %get3A_47, %get3A_147 : vector<16xf32>
        %add3A_149 = arith.addf %mul3A_143, %mul3A_148 : vector<16xf32>
        %get3A_150 = arith.index_cast %add3A_40 : i32 to index
        %get3A_151 = arith.constant 64 : index
        %get3A_152 = tpu.vector_load %arg18[%get3A_150, %get3A_151] {strides = array<i32>} : memref<64x256xf32, #tpu.memory_space<vmem>>, vector<1x16xf32>,
        %get3A_153 = vector.shape_cast %get3A_152 : vector<1x16xf32> to vector<16xf32>
        %mul3A_154 = arith.mulf %get3A_51, %get3A_153 : vector<16xf32>
        %add3A_155 = arith.addf %add3A_149, %mul3A_154 : vector<16xf32>
        %swap3A_156 = arith.index_cast %add3A_40 : i32 to index
        %swap3A_157 = arith.constant 64 : index
        %swap3A_158 = tpu.vector_load %arg19[%swap3A_156, %swap3A_157] {strides = array<i32>} : memref<64x256xf32, #tpu.memory_space<vmem>>, vector<1x16xf32>,
        %swap3A_159 = vector.shape_cast %swap3A_158 : vector<1x16xf32> to vector<16xf32>
        %swap3A_160 = vector.shape_cast %add3A_155 : vector<16xf32> to vector<1x16xf32>
        tpu.vector_store %arg19[%swap3A_156, %swap3A_157], %swap3A_160 {strides = array<i32>} : memref<64x256xf32, #tpu.memory_space<vmem>>, vector<1x16xf32>,
        %get3A_161 = arith.index_cast %add3A_40 : i32 to index
        %get3A_162 = arith.constant 80 : index
        %get3A_163 = tpu.vector_load %arg16[%get3A_161, %get3A_162] {strides = array<i32>} : memref<64x256xf32, #tpu.memory_space<vmem>>, vector<1x16xf32>,
        %get3A_164 = vector.shape_cast %get3A_163 : vector<1x16xf32> to vector<16xf32>
        %mul3A_165 = arith.mulf %get3A_43, %get3A_164 : vector<16xf32>
        %get3A_166 = arith.index_cast %add3A_40 : i32 to index
        %get3A_167 = arith.constant 80 : index
        %get3A_168 = tpu.vector_load %arg17[%get3A_166, %get3A_167] {strides = array<i32>} : memref<64x256xf32, #tpu.memory_space<vmem>>, vector<1x16xf32>,
        %get3A_169 = vector.shape_cast %get3A_168 : vector<1x16xf32> to vector<16xf32>
        %mul3A_170 = arith.mulf %get3A_47, %get3A_169 : vector<16xf32>
        %add3A_171 = arith.addf %mul3A_165, %mul3A_170 : vector<16xf32>
        %get3A_172 = arith.index_cast %add3A_40 : i32 to index
        %get3A_173 = arith.constant 80 : index
        %get3A_174 = tpu.vector_load %arg18[%get3A_172, %get3A_173] {strides = array<i32>} : memref<64x256xf32, #tpu.memory_space<vmem>>, vector<1x16xf32>,
        %get3A_175 = vector.shape_cast %get3A_174 : vector<1x16xf32> to vector<16xf32>
        %mul3A_176 = arith.mulf %get3A_51, %get3A_175 : vector<16xf32>
        %add3A_177 = arith.addf %add3A_171, %mul3A_176 : vector<16xf32>
        %swap3A_178 = arith.index_cast %add3A_40 : i32 to index
        %swap3A_179 = arith.constant 80 : index
        %swap3A_180 = tpu.vector_load %arg19[%swap3A_178, %swap3A_179] {strides = array<i32>} : memref<64x256xf32, #tpu.memory_space<vmem>>, vector<1x16xf32>,
        %swap3A_181 = vector.shape_cast %swap3A_180 : vector<1x16xf32> to vector<16xf32>
        %swap3A_182 = vector.shape_cast %add3A_177 : vector<16xf32> to vector<1x16xf32>
        tpu.vector_store %arg19[%swap3A_178, %swap3A_179], %swap3A_182 {strides = array<i32>} : memref<64x256xf32, #tpu.memory_space<vmem>>, vector<1x16xf32>,
        %get3A_183 = arith.index_cast %add3A_40 : i32 to index
        %get3A_184 = arith.constant 96 : index
        %get3A_185 = tpu.vector_load %arg16[%get3A_183, %get3A_184] {strides = array<i32>} : memref<64x256xf32, #tpu.memory_space<vmem>>, vector<1x16xf32>,
        %get3A_186 = vector.shape_cast %get3A_185 : vector<1x16xf32> to vector<16xf32>
        %mul3A_187 = arith.mulf %get3A_43, %get3A_186 : vector<16xf32>
        %get3A_188 = arith.index_cast %add3A_40 : i32 to index
        %get3A_189 = arith.constant 96 : index
        %get3A_190 = tpu.vector_load %arg17[%get3A_188, %get3A_189] {strides = array<i32>} : memref<64x256xf32, #tpu.memory_space<vmem>>, vector<1x16xf32>,
        %get3A_191 = vector.shape_cast %get3A_190 : vector<1x16xf32> to vector<16xf32>
        %mul3A_192 = arith.mulf %get3A_47, %get3A_191 : vector<16xf32>
        %add3A_193 = arith.addf %mul3A_187, %mul3A_192 : vector<16xf32>
        %get3A_194 = arith.index_cast %add3A_40 : i32 to index
        %get3A_195 = arith.constant 96 : index
        %get3A_196 = tpu.vector_load %arg18[%get3A_194, %get3A_195] {strides = array<i32>} : memref<64x256xf32, #tpu.memory_space<vmem>>, vector<1x16xf32>,
        %get3A_197 = vector.shape_cast %get3A_196 : vector<1x16xf32> to vector<16xf32>
        %mul3A_198 = arith.mulf %get3A_51, %get3A_197 : vector<16xf32>
        %add3A_199 = arith.addf %add3A_193, %mul3A_198 : vector<16xf32>
        %swap3A_200 = arith.index_cast %add3A_40 : i32 to index
        %swap3A_201 = arith.constant 96 : index
        %swap3A_202 = tpu.vector_load %arg19[%swap3A_200, %swap3A_201] {strides = array<i32>} : memref<64x256xf32, #tpu.memory_space<vmem>>, vector<1x16xf32>,
        %swap3A_203 = vector.shape_cast %swap3A_202 : vector<1x16xf32> to vector<16xf32>
        %swap3A_204 = vector.shape_cast %add3A_199 : vector<16xf32> to vector<1x16xf32>
        tpu.vector_store %arg19[%swap3A_200, %swap3A_201], %swap3A_204 {strides = array<i32>} : memref<64x256xf32, #tpu.memory_space<vmem>>, vector<1x16xf32>,
        %get3A_205 = arith.index_cast %add3A_40 : i32 to index
        %get3A_206 = arith.constant 112 : index
        %get3A_207 = tpu.vector_load %arg16[%get3A_205, %get3A_206] {strides = array<i32>} : memref<64x256xf32, #tpu.memory_space<vmem>>, vector<1x16xf32>,
        %get3A_208 = vector.shape_cast %get3A_207 : vector<1x16xf32> to vector<16xf32>
        %mul3A_209 = arith.mulf %get3A_43, %get3A_208 : vector<16xf32>
        %get3A_210 = arith.index_cast %add3A_40 : i32 to index
        %get3A_211 = arith.constant 112 : index
        %get3A_212 = tpu.vector_load %arg17[%get3A_210, %get3A_211] {strides = array<i32>} : memref<64x256xf32, #tpu.memory_space<vmem>>, vector<1x16xf32>,
        %get3A_213 = vector.shape_cast %get3A_212 : vector<1x16xf32> to vector<16xf32>
        %mul3A_214 = arith.mulf %get3A_47, %get3A_213 : vector<16xf32>
        %add3A_215 = arith.addf %mul3A_209, %mul3A_214 : vector<16xf32>
        %get3A_216 = arith.index_cast %add3A_40 : i32 to index
        %get3A_217 = arith.constant 112 : index
        %get3A_218 = tpu.vector_load %arg18[%get3A_216, %get3A_217] {strides = array<i32>} : memref<64x256xf32, #tpu.memory_space<vmem>>, vector<1x16xf32>,
        %get3A_219 = vector.shape_cast %get3A_218 : vector<1x16xf32> to vector<16xf32>
        %mul3A_220 = arith.mulf %get3A_51, %get3A_219 : vector<16xf32>
        %add3A_221 = arith.addf %add3A_215, %mul3A_220 : vector<16xf32>
        %swap3A_222 = arith.index_cast %add3A_40 : i32 to index
        %swap3A_223 = arith.constant 112 : index
        %swap3A_224 = tpu.vector_load %arg19[%swap3A_222, %swap3A_223] {strides = array<i32>} : memref<64x256xf32, #tpu.memory_space<vmem>>, vector<1x16xf32>,
        %swap3A_225 = vector.shape_cast %swap3A_224 : vector<1x16xf32> to vector<16xf32>
        %swap3A_226 = vector.shape_cast %add3A_221 : vector<16xf32> to vector<1x16xf32>
        tpu.vector_store %arg19[%swap3A_222, %swap3A_223], %swap3A_226 {strides = array<i32>} : memref<64x256xf32, #tpu.memory_space<vmem>>, vector<1x16xf32>,
        %get3A_227 = arith.index_cast %add3A_40 : i32 to index
        %get3A_228 = arith.constant 128 : index
        %get3A_229 = tpu.vector_load %arg16[%get3A_227, %get3A_228] {strides = array<i32>} : memref<64x256xf32, #tpu.memory_space<vmem>>, vector<1x16xf32>,
        %get3A_230 = vector.shape_cast %get3A_229 : vector<1x16xf32> to vector<16xf32>
        %mul3A_231 = arith.mulf %get3A_43, %get3A_230 : vector<16xf32>
        %get3A_232 = arith.index_cast %add3A_40 : i32 to index
        %get3A_233 = arith.constant 128 : index
        %get3A_234 = tpu.vector_load %arg17[%get3A_232, %get3A_233] {strides = array<i32>} : memref<64x256xf32, #tpu.memory_space<vmem>>, vector<1x16xf32>,
        %get3A_235 = vector.shape_cast %get3A_234 : vector<1x16xf32> to vector<16xf32>
        %mul3A_236 = arith.mulf %get3A_47, %get3A_235 : vector<16xf32>
        %add3A_237 = arith.addf %mul3A_231, %mul3A_236 : vector<16xf32>
        %get3A_238 = arith.index_cast %add3A_40 : i32 to index
        %get3A_239 = arith.constant 128 : index
        %get3A_240 = tpu.vector_load %arg18[%get3A_238, %get3A_239] {strides = array<i32>} : memref<64x256xf32, #tpu.memory_space<vmem>>, vector<1x16xf32>,
        %get3A_241 = vector.shape_cast %get3A_240 : vector<1x16xf32> to vector<16xf32>
        %mul3A_242 = arith.mulf %get3A_51, %get3A_241 : vector<16xf32>
        %add3A_243 = arith.addf %add3A_237, %mul3A_242 : vector<16xf32>
        %swap3A_244 = arith.index_cast %add3A_40 : i32 to index
        %swap3A_245 = arith.constant 128 : index
        %swap3A_246 = tpu.vector_load %arg19[%swap3A_244, %swap3A_245] {strides = array<i32>} : memref<64x256xf32, #tpu.memory_space<vmem>>, vector<1x16xf32>,
        %swap3A_247 = vector.shape_cast %swap3A_246 : vector<1x16xf32> to vector<16xf32>
        %swap3A_248 = vector.shape_cast %add3A_243 : vector<16xf32> to vector<1x16xf32>
        tpu.vector_store %arg19[%swap3A_244, %swap3A_245], %swap3A_248 {strides = array<i32>} : memref<64x256xf32, #tpu.memory_space<vmem>>, vector<1x16xf32>,
        %get3A_249 = arith.index_cast %add3A_40 : i32 to index
        %get3A_250 = arith.constant 144 : index
        %get3A_251 = tpu.vector_load %arg16[%get3A_249, %get3A_250] {strides = array<i32>} : memref<64x256xf32, #tpu.memory_space<vmem>>, vector<1x16xf32>,
        %get3A_252 = vector.shape_cast %get3A_251 : vector<1x16xf32> to vector<16xf32>
        %mul3A_253 = arith.mulf %get3A_43, %get3A_252 : vector<16xf32>
        %get3A_254 = arith.index_cast %add3A_40 : i32 to index
        %get3A_255 = arith.constant 144 : index
        %get3A_256 = tpu.vector_load %arg17[%get3A_254, %get3A_255] {strides = array<i32>} : memref<64x256xf32, #tpu.memory_space<vmem>>, vector<1x16xf32>,
        %get3A_257 = vector.shape_cast %get3A_256 : vector<1x16xf32> to vector<16xf32>
        %mul3A_258 = arith.mulf %get3A_47, %get3A_257 : vector<16xf32>
        %add3A_259 = arith.addf %mul3A_253, %mul3A_258 : vector<16xf32>
        %get3A_260 = arith.index_cast %add3A_40 : i32 to index
        %get3A_261 = arith.constant 144 : index
        %get3A_262 = tpu.vector_load %arg18[%get3A_260, %get3A_261] {strides = array<i32>} : memref<64x256xf32, #tpu.memory_space<vmem>>, vector<1x16xf32>,
        %get3A_263 = vector.shape_cast %get3A_262 : vector<1x16xf32> to vector<16xf32>
        %mul3A_264 = arith.mulf %get3A_51, %get3A_263 : vector<16xf32>
        %add3A_265 = arith.addf %add3A_259, %mul3A_264 : vector<16xf32>
        %swap3A_266 = arith.index_cast %add3A_40 : i32 to index
        %swap3A_267 = arith.constant 144 : index
        %swap3A_268 = tpu.vector_load %arg19[%swap3A_266, %swap3A_267] {strides = array<i32>} : memref<64x256xf32, #tpu.memory_space<vmem>>, vector<1x16xf32>,
        %swap3A_269 = vector.shape_cast %swap3A_268 : vector<1x16xf32> to vector<16xf32>
        %swap3A_270 = vector.shape_cast %add3A_265 : vector<16xf32> to vector<1x16xf32>
        tpu.vector_store %arg19[%swap3A_266, %swap3A_267], %swap3A_270 {strides = array<i32>} : memref<64x256xf32, #tpu.memory_space<vmem>>, vector<1x16xf32>,
        %get3A_271 = arith.index_cast %add3A_40 : i32 to index
        %get3A_272 = arith.constant 160 : index
        %get3A_273 = tpu.vector_load %arg16[%get3A_271, %get3A_272] {strides = array<i32>} : memref<64x256xf32, #tpu.memory_space<vmem>>, vector<1x16xf32>,
        %get3A_274 = vector.shape_cast %get3A_273 : vector<1x16xf32> to vector<16xf32>
        %mul3A_275 = arith.mulf %get3A_43, %get3A_274 : vector<16xf32>
        %get3A_276 = arith.index_cast %add3A_40 : i32 to index
        %get3A_277 = arith.constant 160 : index
        %get3A_278 = tpu.vector_load %arg17[%get3A_276, %get3A_277] {strides = array<i32>} : memref<64x256xf32, #tpu.memory_space<vmem>>, vector<1x16xf32>,
        %get3A_279 = vector.shape_cast %get3A_278 : vector<1x16xf32> to vector<16xf32>
        %mul3A_280 = arith.mulf %get3A_47, %get3A_279 : vector<16xf32>
        %add3A_281 = arith.addf %mul3A_275, %mul3A_280 : vector<16xf32>
        %get3A_282 = arith.index_cast %add3A_40 : i32 to index
        %get3A_283 = arith.constant 160 : index
        %get3A_284 = tpu.vector_load %arg18[%get3A_282, %get3A_283] {strides = array<i32>} : memref<64x256xf32, #tpu.memory_space<vmem>>, vector<1x16xf32>,
        %get3A_285 = vector.shape_cast %get3A_284 : vector<1x16xf32> to vector<16xf32>
        %mul3A_286 = arith.mulf %get3A_51, %get3A_285 : vector<16xf32>
        %add3A_287 = arith.addf %add3A_281, %mul3A_286 : vector<16xf32>
        %swap3A_288 = arith.index_cast %add3A_40 : i32 to index
        %swap3A_289 = arith.constant 160 : index
        %swap3A_290 = tpu.vector_load %arg19[%swap3A_288, %swap3A_289] {strides = array<i32>} : memref<64x256xf32, #tpu.memory_space<vmem>>, vector<1x16xf32>,
        %swap3A_291 = vector.shape_cast %swap3A_290 : vector<1x16xf32> to vector<16xf32>
        %swap3A_292 = vector.shape_cast %add3A_287 : vector<16xf32> to vector<1x16xf32>
        tpu.vector_store %arg19[%swap3A_288, %swap3A_289], %swap3A_292 {strides = array<i32>} : memref<64x256xf32, #tpu.memory_space<vmem>>, vector<1x16xf32>,
        %get3A_293 = arith.index_cast %add3A_40 : i32 to index
        %get3A_294 = arith.constant 176 : index
        %get3A_295 = tpu.vector_load %arg16[%get3A_293, %get3A_294] {strides = array<i32>} : memref<64x256xf32, #tpu.memory_space<vmem>>, vector<1x16xf32>,
        %get3A_296 = vector.shape_cast %get3A_295 : vector<1x16xf32> to vector<16xf32>
        %mul3A_297 = arith.mulf %get3A_43, %get3A_296 : vector<16xf32>
        %get3A_298 = arith.index_cast %add3A_40 : i32 to index
        %get3A_299 = arith.constant 176 : index
        %get3A_300 = tpu.vector_load %arg17[%get3A_298, %get3A_299] {strides = array<i32>} : memref<64x256xf32, #tpu.memory_space<vmem>>, vector<1x16xf32>,
        %get3A_301 = vector.shape_cast %get3A_300 : vector<1x16xf32> to vector<16xf32>
        %mul3A_302 = arith.mulf %get3A_47, %get3A_301 : vector<16xf32>
        %add3A_303 = arith.addf %mul3A_297, %mul3A_302 : vector<16xf32>
        %get3A_304 = arith.index_cast %add3A_40 : i32 to index
        %get3A_305 = arith.constant 176 : index
        %get3A_306 = tpu.vector_load %arg18[%get3A_304, %get3A_305] {strides = array<i32>} : memref<64x256xf32, #tpu.memory_space<vmem>>, vector<1x16xf32>,
        %get3A_307 = vector.shape_cast %get3A_306 : vector<1x16xf32> to vector<16xf32>
        %mul3A_308 = arith.mulf %get3A_51, %get3A_307 : vector<16xf32>
        %add3A_309 = arith.addf %add3A_303, %mul3A_308 : vector<16xf32>
        %swap3A_310 = arith.index_cast %add3A_40 : i32 to index
        %swap3A_311 = arith.constant 176 : index
        %swap3A_312 = tpu.vector_load %arg19[%swap3A_310, %swap3A_311] {strides = array<i32>} : memref<64x256xf32, #tpu.memory_space<vmem>>, vector<1x16xf32>,
        %swap3A_313 = vector.shape_cast %swap3A_312 : vector<1x16xf32> to vector<16xf32>
        %swap3A_314 = vector.shape_cast %add3A_309 : vector<16xf32> to vector<1x16xf32>
        tpu.vector_store %arg19[%swap3A_310, %swap3A_311], %swap3A_314 {strides = array<i32>} : memref<64x256xf32, #tpu.memory_space<vmem>>, vector<1x16xf32>,
        %get3A_315 = arith.index_cast %add3A_40 : i32 to index
        %get3A_316 = arith.constant 192 : index
        %get3A_317 = tpu.vector_load %arg16[%get3A_315, %get3A_316] {strides = array<i32>} : memref<64x256xf32, #tpu.memory_space<vmem>>, vector<1x16xf32>,
        %get3A_318 = vector.shape_cast %get3A_317 : vector<1x16xf32> to vector<16xf32>
        %mul3A_319 = arith.mulf %get3A_43, %get3A_318 : vector<16xf32>
        %get3A_320 = arith.index_cast %add3A_40 : i32 to index
        %get3A_321 = arith.constant 192 : index
        %get3A_322 = tpu.vector_load %arg17[%get3A_320, %get3A_321] {strides = array<i32>} : memref<64x256xf32, #tpu.memory_space<vmem>>, vector<1x16xf32>,
        %get3A_323 = vector.shape_cast %get3A_322 : vector<1x16xf32> to vector<16xf32>
        %mul3A_324 = arith.mulf %get3A_47, %get3A_323 : vector<16xf32>
        %add3A_325 = arith.addf %mul3A_319, %mul3A_324 : vector<16xf32>
        %get3A_326 = arith.index_cast %add3A_40 : i32 to index
        %get3A_327 = arith.constant 192 : index
        %get3A_328 = tpu.vector_load %arg18[%get3A_326, %get3A_327] {strides = array<i32>} : memref<64x256xf32, #tpu.memory_space<vmem>>, vector<1x16xf32>,
        %get3A_329 = vector.shape_cast %get3A_328 : vector<1x16xf32> to vector<16xf32>
        %mul3A_330 = arith.mulf %get3A_51, %get3A_329 : vector<16xf32>
        %add3A_331 = arith.addf %add3A_325, %mul3A_330 : vector<16xf32>
        %swap3A_332 = arith.index_cast %add3A_40 : i32 to index
        %swap3A_333 = arith.constant 192 : index
        %swap3A_334 = tpu.vector_load %arg19[%swap3A_332, %swap3A_333] {strides = array<i32>} : memref<64x256xf32, #tpu.memory_space<vmem>>, vector<1x16xf32>,
        %swap3A_335 = vector.shape_cast %swap3A_334 : vector<1x16xf32> to vector<16xf32>
        %swap3A_336 = vector.shape_cast %add3A_331 : vector<16xf32> to vector<1x16xf32>
        tpu.vector_store %arg19[%swap3A_332, %swap3A_333], %swap3A_336 {strides = array<i32>} : memref<64x256xf32, #tpu.memory_space<vmem>>, vector<1x16xf32>,
        %get3A_337 = arith.index_cast %add3A_40 : i32 to index
        %get3A_338 = arith.constant 208 : index
        %get3A_339 = tpu.vector_load %arg16[%get3A_337, %get3A_338] {strides = array<i32>} : memref<64x256xf32, #tpu.memory_space<vmem>>, vector<1x16xf32>,
        %get3A_340 = vector.shape_cast %get3A_339 : vector<1x16xf32> to vector<16xf32>
        %mul3A_341 = arith.mulf %get3A_43, %get3A_340 : vector<16xf32>
        %get3A_342 = arith.index_cast %add3A_40 : i32 to index
        %get3A_343 = arith.constant 208 : index
        %get3A_344 = tpu.vector_load %arg17[%get3A_342, %get3A_343] {strides = array<i32>} : memref<64x256xf32, #tpu.memory_space<vmem>>, vector<1x16xf32>,
        %get3A_345 = vector.shape_cast %get3A_344 : vector<1x16xf32> to vector<16xf32>
        %mul3A_346 = arith.mulf %get3A_47, %get3A_345 : vector<16xf32>
        %add3A_347 = arith.addf %mul3A_341, %mul3A_346 : vector<16xf32>
        %get3A_348 = arith.index_cast %add3A_40 : i32 to index
        %get3A_349 = arith.constant 208 : index
        %get3A_350 = tpu.vector_load %arg18[%get3A_348, %get3A_349] {strides = array<i32>} : memref<64x256xf32, #tpu.memory_space<vmem>>, vector<1x16xf32>,
        %get3A_351 = vector.shape_cast %get3A_350 : vector<1x16xf32> to vector<16xf32>
        %mul3A_352 = arith.mulf %get3A_51, %get3A_351 : vector<16xf32>
        %add3A_353 = arith.addf %add3A_347, %mul3A_352 : vector<16xf32>
        %swap3A_354 = arith.index_cast %add3A_40 : i32 to index
        %swap3A_355 = arith.constant 208 : index
        %swap3A_356 = tpu.vector_load %arg19[%swap3A_354, %swap3A_355] {strides = array<i32>} : memref<64x256xf32, #tpu.memory_space<vmem>>, vector<1x16xf32>,
        %swap3A_357 = vector.shape_cast %swap3A_356 : vector<1x16xf32> to vector<16xf32>
        %swap3A_358 = vector.shape_cast %add3A_353 : vector<16xf32> to vector<1x16xf32>
        tpu.vector_store %arg19[%swap3A_354, %swap3A_355], %swap3A_358 {strides = array<i32>} : memref<64x256xf32, #tpu.memory_space<vmem>>, vector<1x16xf32>,
        %get3A_359 = arith.index_cast %add3A_40 : i32 to index
        %get3A_360 = arith.constant 224 : index
        %get3A_361 = tpu.vector_load %arg16[%get3A_359, %get3A_360] {strides = array<i32>} : memref<64x256xf32, #tpu.memory_space<vmem>>, vector<1x16xf32>,
        %get3A_362 = vector.shape_cast %get3A_361 : vector<1x16xf32> to vector<16xf32>
        %mul3A_363 = arith.mulf %get3A_43, %get3A_362 : vector<16xf32>
        %get3A_364 = arith.index_cast %add3A_40 : i32 to index
        %get3A_365 = arith.constant 224 : index
        %get3A_366 = tpu.vector_load %arg17[%get3A_364, %get3A_365] {strides = array<i32>} : memref<64x256xf32, #tpu.memory_space<vmem>>, vector<1x16xf32>,
        %get3A_367 = vector.shape_cast %get3A_366 : vector<1x16xf32> to vector<16xf32>
        %mul3A_368 = arith.mulf %get3A_47, %get3A_367 : vector<16xf32>
        %add3A_369 = arith.addf %mul3A_363, %mul3A_368 : vector<16xf32>
        %get3A_370 = arith.index_cast %add3A_40 : i32 to index
        %get3A_371 = arith.constant 224 : index
        %get3A_372 = tpu.vector_load %arg18[%get3A_370, %get3A_371] {strides = array<i32>} : memref<64x256xf32, #tpu.memory_space<vmem>>, vector<1x16xf32>,
        %get3A_373 = vector.shape_cast %get3A_372 : vector<1x16xf32> to vector<16xf32>
        %mul3A_374 = arith.mulf %get3A_51, %get3A_373 : vector<16xf32>
        %add3A_375 = arith.addf %add3A_369, %mul3A_374 : vector<16xf32>
        %swap3A_376 = arith.index_cast %add3A_40 : i32 to index
        %swap3A_377 = arith.constant 224 : index
        %swap3A_378 = tpu.vector_load %arg19[%swap3A_376, %swap3A_377] {strides = array<i32>} : memref<64x256xf32, #tpu.memory_space<vmem>>, vector<1x16xf32>,
        %swap3A_379 = vector.shape_cast %swap3A_378 : vector<1x16xf32> to vector<16xf32>
        %swap3A_380 = vector.shape_cast %add3A_375 : vector<16xf32> to vector<1x16xf32>
        tpu.vector_store %arg19[%swap3A_376, %swap3A_377], %swap3A_380 {strides = array<i32>} : memref<64x256xf32, #tpu.memory_space<vmem>>, vector<1x16xf32>,
        %get3A_381 = arith.index_cast %add3A_40 : i32 to index
        %get3A_382 = arith.constant 240 : index
        %get3A_383 = tpu.vector_load %arg16[%get3A_381, %get3A_382] {strides = array<i32>} : memref<64x256xf32, #tpu.memory_space<vmem>>, vector<1x16xf32>,
        %get3A_384 = vector.shape_cast %get3A_383 : vector<1x16xf32> to vector<16xf32>
        %mul3A_385 = arith.mulf %get3A_43, %get3A_384 : vector<16xf32>
        %get3A_386 = arith.index_cast %add3A_40 : i32 to index
        %get3A_387 = arith.constant 240 : index
        %get3A_388 = tpu.vector_load %arg17[%get3A_386, %get3A_387] {strides = array<i32>} : memref<64x256xf32, #tpu.memory_space<vmem>>, vector<1x16xf32>,
        %get3A_389 = vector.shape_cast %get3A_388 : vector<1x16xf32> to vector<16xf32>
        %mul3A_390 = arith.mulf %get3A_47, %get3A_389 : vector<16xf32>
        %add3A_391 = arith.addf %mul3A_385, %mul3A_390 : vector<16xf32>
        %get3A_392 = arith.index_cast %add3A_40 : i32 to index
        %get3A_393 = arith.constant 240 : index
        %get3A_394 = tpu.vector_load %arg18[%get3A_392, %get3A_393] {strides = array<i32>} : memref<64x256xf32, #tpu.memory_space<vmem>>, vector<1x16xf32>,
        %get3A_395 = vector.shape_cast %get3A_394 : vector<1x16xf32> to vector<16xf32>
        %mul3A_396 = arith.mulf %get3A_51, %get3A_395 : vector<16xf32>
        %add3A_397 = arith.addf %add3A_391, %mul3A_396 : vector<16xf32>
        %swap3A_398 = arith.index_cast %add3A_40 : i32 to index
        %swap3A_399 = arith.constant 240 : index
        %swap3A_400 = tpu.vector_load %arg19[%swap3A_398, %swap3A_399] {strides = array<i32>} : memref<64x256xf32, #tpu.memory_space<vmem>>, vector<1x16xf32>,
        %swap3A_401 = vector.shape_cast %swap3A_400 : vector<1x16xf32> to vector<16xf32>
        %swap3A_402 = vector.shape_cast %add3A_397 : vector<16xf32> to vector<1x16xf32>
        tpu.vector_store %arg19[%swap3A_398, %swap3A_399], %swap3A_402 {strides = array<i32>} : memref<64x256xf32, #tpu.memory_space<vmem>>, vector<1x16xf32>,
      }
      %scan3A_35 = arith.constant 64 : i32
      "tpu.region"() ({
        %run_scoped3A = tpu.sem_alloc : memref<!tpu.dma_semaphore, #tpu.memory_space<semaphore_mem>>
        %dma_start3A_36 = arith.constant 0 : i32
        %dma_start3A_37 = tpu.memref_slice %arg9[%add3A_14, %dma_start3A_36] : memref<32768x256xf32, #tpu.memory_space<hbm>> -> memref<64x256xf32, #tpu.memory_space<hbm>>
        %dma_start3A_38 = arith.constant 0 : i32
        %dma_start3A_39 = tpu.memref_slice %arg9[%add3A_14, %dma_start3A_38] : memref<32768x256xf32, #tpu.memory_space<hbm>> -> memref<64x256xf32, #tpu.memory_space<hbm>>
        tpu.enqueue_dma source(%arg19 : memref<64x256xf32, #tpu.memory_space<vmem>>) target(%dma_start3A_39 : memref<64x256xf32, #tpu.memory_space<hbm>>) target_semaphore(%run_scoped3A : memref<!tpu.dma_semaphore, #tpu.memory_space<semaphore_mem>>)
        %dma_wait3A_40 = arith.constant 0 : i32
        %dma_wait3A_41 = tpu.memref_slice %arg9[%add3A_14, %dma_wait3A_40] : memref<32768x256xf32, #tpu.memory_space<hbm>> -> memref<64x256xf32, #tpu.memory_space<hbm>>
        %dma_wait3A_42 = arith.constant 0 : i32
        %dma_wait3A_43 = tpu.memref_slice %arg9[%add3A_14, %dma_wait3A_42] : memref<32768x256xf32, #tpu.memory_space<hbm>> -> memref<64x256xf32, #tpu.memory_space<hbm>>
        tpu.wait_dma2 semaphore(%run_scoped3A : memref<!tpu.dma_semaphore, #tpu.memory_space<semaphore_mem>>) src(%arg19 : memref<64x256xf32, #tpu.memory_space<vmem>>) dst(%dma_wait3A_43 : memref<64x256xf32, #tpu.memory_space<hbm>>)
        tpu.yield
      }) : () -> ()
    }
    %scan3A_6 = arith.constant 16 : i32
    return
  }
}

module attributes {stable_mosaic.version = 14 : i64} {
  func.func @_stage_a(%arg0: i32, %arg1: i32, %arg2: memref<1x16x1024xbf16, #tpu.memory_space<vmem>>, %arg3: memref<1x16x256xbf16, #tpu.memory_space<vmem>>, %arg4: memref<1x1x256xf32, #tpu.memory_space<vmem>>, %arg5: memref<1x1024x1xf32, #tpu.memory_space<vmem>>, %arg6: memref<1x128x256xf32, #tpu.memory_space<vmem>>, %arg7: memref<256x128xf32, #tpu.memory_space<vmem>>, %arg8: memref<1x256x256xf32, #tpu.memory_space<vmem>>, %arg9: memref<1x8x256xi32, #tpu.memory_space<vmem>>, %arg10: memref<1x8x256xf32, #tpu.memory_space<vmem>>) attributes {dimension_semantics = [#tpu.dimension_semantics<parallel>, #tpu.dimension_semantics<arbitrary>], iteration_bounds = array<i64: 8, 16>, scalar_prefetch = 0 : i64, scratch_operands = 0 : i64, tpu.core_type = #tpu.core_type<tc>, window_params = [{transform_indices = @transform_0, window_bounds = array<i64: 1, 16, 1024>}, {transform_indices = @transform_1, window_bounds = array<i64: 1, 16, 256>}, {transform_indices = @transform_2, window_bounds = array<i64: 1, 1, 256>}, {transform_indices = @transform_3, window_bounds = array<i64: 1, 1024, 1>}, {transform_indices = @transform_4, window_bounds = array<i64: 1, 128, 256>}, {pipeline_mode = #tpu.pipeline_mode<synchronous>, transform_indices = @transform_5, window_bounds = array<i64: 256, 128>}, {transform_indices = @transform_6, window_bounds = array<i64: 1, 256, 256>}, {transform_indices = @transform_7, window_bounds = array<i64: 1, 8, 256>}, {transform_indices = @transform_8, window_bounds = array<i64: 1, 8, 256>}]} {
    %get3A = arith.constant 0 : index
    %get3A_0 = arith.constant 0 : index
    %get3A_1 = arith.constant 0 : index
    %get3A_2 = vector.load %arg2[%get3A, %get3A_0, %get3A_1] : memref<1x16x1024xbf16, #tpu.memory_space<vmem>>, vector<1x16x1024xbf16>
    %get3A_3 = vector.shape_cast %get3A_2 : vector<1x16x1024xbf16> to vector<16x1024xbf16>
    %get3A_4 = arith.constant 0 : index
    %get3A_5 = arith.constant 0 : index
    %get3A_6 = arith.constant 0 : index
    %get3A_7 = vector.load %arg3[%get3A_4, %get3A_5, %get3A_6] : memref<1x16x256xbf16, #tpu.memory_space<vmem>>, vector<1x16x256xbf16>
    %get3A_8 = vector.shape_cast %get3A_7 : vector<1x16x256xbf16> to vector<16x256xbf16>
    %dot_general3A = arith.constant dense<0.000000e+00> : vector<1024x256xf32>
    %dot_general3A_9 = tpu.matmul %get3A_3, %get3A_8, %dot_general3A {dimension_numbers = #tpu.dot_dimension_numbers<[0], [0], [1], [1], [0, 1, 1, 1], [], []>, transpose_lhs_hint = false} : vector<16x1024xbf16>, vector<16x256xbf16>, vector<1024x256xf32> -> vector<1024x256xf32>
    %get3A_10 = arith.constant 0 : index
    %get3A_11 = arith.constant 0 : index
    %get3A_12 = arith.constant 0 : index
    %get3A_13 = vector.load %arg4[%get3A_10, %get3A_11, %get3A_12] : memref<1x1x256xf32, #tpu.memory_space<vmem>>, vector<1x1x256xf32>
    %get3A_14 = vector.shape_cast %get3A_13 : vector<1x1x256xf32> to vector<256xf32>
    %get3A_15 = arith.constant 0 : index
    %get3A_16 = arith.constant 0 : index
    %get3A_17 = arith.constant 0 : index
    %get3A_18 = vector.load %arg5[%get3A_15, %get3A_16, %get3A_17] : memref<1x1024x1xf32, #tpu.memory_space<vmem>>, vector<1x1024x1xf32>
    %get3A_19 = vector.shape_cast %get3A_18 : vector<1x1024x1xf32> to vector<1024x1xf32>
    %broadcast_in_dim3A = vector.shape_cast %get3A_14 : vector<256xf32> to vector<1x256xf32>
    %add3A = vector.broadcast %get3A_19 : vector<1024x1xf32> to vector<1024x256xf32>
    %add3A_20 = vector.broadcast %broadcast_in_dim3A : vector<1x256xf32> to vector<1024x256xf32>
    %add3A_21 = arith.addf %add3A, %add3A_20 : vector<1024x256xf32>
    %mul3A = arith.constant 2.000000e+00 : f32
    %mul3A_22 = vector.broadcast %mul3A : f32 to vector<1024x256xf32>
    %mul3A_23 = arith.mulf %mul3A_22, %dot_general3A_9 : vector<1024x256xf32>
    %sub3A = arith.subf %add3A_21, %mul3A_23 : vector<1024x256xf32>
    %iota3A = tpu.iota {dimensions = array<i32: 0>} : vector<1024x256xi32>
    %reduce_min3A = arith.constant dense<0x7F800000> : vector<256xf32>
    %reduce_min3A_24 = vector.multi_reduction <minimumf>, %sub3A, %reduce_min3A [0] : vector<1024x256xf32> to vector<256xf32>
    %broadcast_in_dim3A_25 = vector.shape_cast %reduce_min3A_24 : vector<256xf32> to vector<1x256xf32>
    %eq3A = vector.broadcast %broadcast_in_dim3A_25 : vector<1x256xf32> to vector<1024x256xf32>
    %eq3A_26 = arith.cmpf oeq, %sub3A, %eq3A : vector<1024x256xf32>
    %jit3A = arith.constant 1024 : i32
    %broadcast_in_dim3A_27 = vector.broadcast %jit3A : i32 to vector<1024x256xi32>
    %select_n3A = arith.select %eq3A_26, %iota3A, %broadcast_in_dim3A_27 : vector<1024x256xi1>, vector<1024x256xi32>
    %reduce_min3A_28 = arith.constant dense<2147483647> : vector<256xi32>
    %reduce_min3A_29 = vector.multi_reduction <minsi>, %select_n3A, %reduce_min3A_28 [0] : vector<1024x256xi32> to vector<256xi32>
    %broadcast_in_dim3A_30 = vector.shape_cast %reduce_min3A_29 : vector<256xi32> to vector<1x256xi32>
    %eq3A_31 = vector.broadcast %broadcast_in_dim3A_30 : vector<1x256xi32> to vector<1024x256xi32>
    %eq3A_32 = arith.cmpi eq, %iota3A, %eq3A_31 : vector<1024x256xi32>
    %jit3A_33 = arith.constant 3.000000e+38 : f32
    %broadcast_in_dim3A_34 = vector.broadcast %jit3A_33 : f32 to vector<1024x256xf32>
    %select_n3A_35 = arith.select %eq3A_32, %broadcast_in_dim3A_34, %sub3A : vector<1024x256xi1>, vector<1024x256xf32>
    %reduce_min3A_36 = arith.constant dense<0x7F800000> : vector<256xf32>
    %reduce_min3A_37 = vector.multi_reduction <minimumf>, %select_n3A_35, %reduce_min3A_36 [0] : vector<1024x256xf32> to vector<256xf32>
    %broadcast_in_dim3A_38 = vector.shape_cast %reduce_min3A_37 : vector<256xf32> to vector<1x256xf32>
    %eq3A_39 = vector.broadcast %broadcast_in_dim3A_38 : vector<1x256xf32> to vector<1024x256xf32>
    %eq3A_40 = arith.cmpf oeq, %select_n3A_35, %eq3A_39 : vector<1024x256xf32>
    %jit3A_41 = arith.constant 1024 : i32
    %broadcast_in_dim3A_42 = vector.broadcast %jit3A_41 : i32 to vector<1024x256xi32>
    %select_n3A_43 = arith.select %eq3A_40, %iota3A, %broadcast_in_dim3A_42 : vector<1024x256xi1>, vector<1024x256xi32>
    %reduce_min3A_44 = arith.constant dense<2147483647> : vector<256xi32>
    %reduce_min3A_45 = vector.multi_reduction <minsi>, %select_n3A_43, %reduce_min3A_44 [0] : vector<1024x256xi32> to vector<256xi32>
    %broadcast_in_dim3A_46 = vector.shape_cast %reduce_min3A_45 : vector<256xi32> to vector<1x256xi32>
    %eq3A_47 = vector.broadcast %broadcast_in_dim3A_46 : vector<1x256xi32> to vector<1024x256xi32>
    %eq3A_48 = arith.cmpi eq, %iota3A, %eq3A_47 : vector<1024x256xi32>
    %jit3A_49 = arith.constant 3.000000e+38 : f32
    %broadcast_in_dim3A_50 = vector.broadcast %jit3A_49 : f32 to vector<1024x256xf32>
    %select_n3A_51 = arith.select %eq3A_48, %broadcast_in_dim3A_50, %select_n3A_35 : vector<1024x256xi1>, vector<1024x256xf32>
    %reduce_min3A_52 = arith.constant dense<0x7F800000> : vector<256xf32>
    %reduce_min3A_53 = vector.multi_reduction <minimumf>, %select_n3A_51, %reduce_min3A_52 [0] : vector<1024x256xf32> to vector<256xf32>
    %broadcast_in_dim3A_54 = vector.shape_cast %reduce_min3A_53 : vector<256xf32> to vector<1x256xf32>
    %eq3A_55 = vector.broadcast %broadcast_in_dim3A_54 : vector<1x256xf32> to vector<1024x256xf32>
    %eq3A_56 = arith.cmpf oeq, %select_n3A_51, %eq3A_55 : vector<1024x256xf32>
    %jit3A_57 = arith.constant 1024 : i32
    %broadcast_in_dim3A_58 = vector.broadcast %jit3A_57 : i32 to vector<1024x256xi32>
    %select_n3A_59 = arith.select %eq3A_56, %iota3A, %broadcast_in_dim3A_58 : vector<1024x256xi1>, vector<1024x256xi32>
    %reduce_min3A_60 = arith.constant dense<2147483647> : vector<256xi32>
    %reduce_min3A_61 = vector.multi_reduction <minsi>, %select_n3A_59, %reduce_min3A_60 [0] : vector<1024x256xi32> to vector<256xi32>
    %max3A = arith.constant 0.000000e+00 : f32
    %max3A_62 = vector.broadcast %max3A : f32 to vector<256xf32>
    %max3A_63 = arith.maximumf %reduce_min3A_24, %max3A_62 : vector<256xf32>
    %sqrt3A = math.sqrt %max3A_63 : vector<256xf32>
    %add3A_64 = arith.constant 9.99999993E-9 : f32
    %add3A_65 = vector.broadcast %add3A_64 : f32 to vector<256xf32>
    %add3A_66 = arith.addf %sqrt3A, %add3A_65 : vector<256xf32>
    %div3A = arith.constant 1.000000e+00 : f32
    %div3A_67 = vector.broadcast %div3A : f32 to vector<256xf32>
    %div3A_68 = arith.divf %div3A_67, %add3A_66 : vector<256xf32>
    %max3A_69 = arith.constant 0.000000e+00 : f32
    %max3A_70 = vector.broadcast %max3A_69 : f32 to vector<256xf32>
    %max3A_71 = arith.maximumf %reduce_min3A_37, %max3A_70 : vector<256xf32>
    %sqrt3A_72 = math.sqrt %max3A_71 : vector<256xf32>
    %add3A_73 = arith.constant 9.99999993E-9 : f32
    %add3A_74 = vector.broadcast %add3A_73 : f32 to vector<256xf32>
    %add3A_75 = arith.addf %sqrt3A_72, %add3A_74 : vector<256xf32>
    %div3A_76 = arith.constant 1.000000e+00 : f32
    %div3A_77 = vector.broadcast %div3A_76 : f32 to vector<256xf32>
    %div3A_78 = arith.divf %div3A_77, %add3A_75 : vector<256xf32>
    %max3A_79 = arith.constant 0.000000e+00 : f32
    %max3A_80 = vector.broadcast %max3A_79 : f32 to vector<256xf32>
    %max3A_81 = arith.maximumf %reduce_min3A_53, %max3A_80 : vector<256xf32>
    %sqrt3A_82 = math.sqrt %max3A_81 : vector<256xf32>
    %add3A_83 = arith.constant 9.99999993E-9 : f32
    %add3A_84 = vector.broadcast %add3A_83 : f32 to vector<256xf32>
    %add3A_85 = arith.addf %sqrt3A_82, %add3A_84 : vector<256xf32>
    %div3A_86 = arith.constant 1.000000e+00 : f32
    %div3A_87 = vector.broadcast %div3A_86 : f32 to vector<256xf32>
    %div3A_88 = arith.divf %div3A_87, %add3A_85 : vector<256xf32>
    %add3A_89 = arith.addf %div3A_68, %div3A_78 : vector<256xf32>
    %add3A_90 = arith.addf %add3A_89, %div3A_88 : vector<256xf32>
    %div3A_91 = arith.divf %div3A_68, %add3A_90 : vector<256xf32>
    %div3A_92 = arith.divf %div3A_78, %add3A_90 : vector<256xf32>
    %div3A_93 = arith.divf %div3A_88, %add3A_90 : vector<256xf32>
    %mul3A_94 = arith.constant 1024 : i32
    %mul3A_95 = arith.muli %arg0, %mul3A_94 : i32
    %broadcast_in_dim3A_96 = arith.constant 0 : i32
    %broadcast_in_dim3A_97 = vector.broadcast %broadcast_in_dim3A_96 : i32 to vector<256xi32>
    %add3A_98 = vector.broadcast %mul3A_95 : i32 to vector<256xi32>
    %add3A_99 = arith.addi %reduce_min3A_29, %add3A_98 : vector<256xi32>
    %add3A_100 = vector.broadcast %mul3A_95 : i32 to vector<256xi32>
    %add3A_101 = arith.addi %reduce_min3A_45, %add3A_100 : vector<256xi32>
    %add3A_102 = vector.broadcast %mul3A_95 : i32 to vector<256xi32>
    %add3A_103 = arith.addi %reduce_min3A_61, %add3A_102 : vector<256xi32>
    %stack3A = vector.shape_cast %add3A_99 : vector<256xi32> to vector<1x256xi32>
    %stack3A_104 = vector.shape_cast %add3A_101 : vector<256xi32> to vector<1x256xi32>
    %stack3A_105 = vector.shape_cast %add3A_103 : vector<256xi32> to vector<1x256xi32>
    %stack3A_106 = vector.shape_cast %broadcast_in_dim3A_97 : vector<256xi32> to vector<1x256xi32>
    %stack3A_107 = vector.shape_cast %broadcast_in_dim3A_97 : vector<256xi32> to vector<1x256xi32>
    %stack3A_108 = vector.shape_cast %broadcast_in_dim3A_97 : vector<256xi32> to vector<1x256xi32>
    %stack3A_109 = vector.shape_cast %broadcast_in_dim3A_97 : vector<256xi32> to vector<1x256xi32>
    %stack3A_110 = vector.shape_cast %broadcast_in_dim3A_97 : vector<256xi32> to vector<1x256xi32>
    %stack3A_111 = tpu.concatenate %stack3A, %stack3A_104, %stack3A_105, %stack3A_106, %stack3A_107, %stack3A_108, %stack3A_109, %stack3A_110 in 0 : vector<1x256xi32>, vector<1x256xi32>, vector<1x256xi32>, vector<1x256xi32>, vector<1x256xi32>, vector<1x256xi32>, vector<1x256xi32>, vector<1x256xi32> -> vector<8x256xi32>
    %swap3A = arith.constant 0 : index
    %swap3A_112 = arith.constant 0 : index
    %swap3A_113 = arith.constant 0 : index
    %swap3A_114 = vector.load %arg9[%swap3A, %swap3A_112, %swap3A_113] : memref<1x8x256xi32, #tpu.memory_space<vmem>>, vector<1x8x256xi32>
    %swap3A_115 = vector.shape_cast %swap3A_114 : vector<1x8x256xi32> to vector<8x256xi32>
    %swap3A_116 = vector.shape_cast %stack3A_111 : vector<8x256xi32> to vector<1x8x256xi32>
    tpu.vector_store %arg9[%swap3A, %swap3A_112, %swap3A_113], %swap3A_116 {strides = array<i32>} : memref<1x8x256xi32, #tpu.memory_space<vmem>>, vector<1x8x256xi32>,
    %broadcast_in_dim3A_117 = arith.constant 0.000000e+00 : f32
    %broadcast_in_dim3A_118 = vector.broadcast %broadcast_in_dim3A_117 : f32 to vector<256xf32>
    %stack3A_119 = vector.shape_cast %div3A_91 : vector<256xf32> to vector<1x256xf32>
    %stack3A_120 = vector.shape_cast %div3A_92 : vector<256xf32> to vector<1x256xf32>
    %stack3A_121 = vector.shape_cast %div3A_93 : vector<256xf32> to vector<1x256xf32>
    %stack3A_122 = vector.shape_cast %broadcast_in_dim3A_118 : vector<256xf32> to vector<1x256xf32>
    %stack3A_123 = vector.shape_cast %broadcast_in_dim3A_118 : vector<256xf32> to vector<1x256xf32>
    %stack3A_124 = vector.shape_cast %broadcast_in_dim3A_118 : vector<256xf32> to vector<1x256xf32>
    %stack3A_125 = vector.shape_cast %broadcast_in_dim3A_118 : vector<256xf32> to vector<1x256xf32>
    %stack3A_126 = vector.shape_cast %broadcast_in_dim3A_118 : vector<256xf32> to vector<1x256xf32>
    %stack3A_127 = tpu.concatenate %stack3A_119, %stack3A_120, %stack3A_121, %stack3A_122, %stack3A_123, %stack3A_124, %stack3A_125, %stack3A_126 in 0 : vector<1x256xf32>, vector<1x256xf32>, vector<1x256xf32>, vector<1x256xf32>, vector<1x256xf32>, vector<1x256xf32>, vector<1x256xf32>, vector<1x256xf32> -> vector<8x256xf32>
    %swap3A_128 = arith.constant 0 : index
    %swap3A_129 = arith.constant 0 : index
    %swap3A_130 = arith.constant 0 : index
    %swap3A_131 = vector.load %arg10[%swap3A_128, %swap3A_129, %swap3A_130] : memref<1x8x256xf32, #tpu.memory_space<vmem>>, vector<1x8x256xf32>
    %swap3A_132 = vector.shape_cast %swap3A_131 : vector<1x8x256xf32> to vector<8x256xf32>
    %swap3A_133 = vector.shape_cast %stack3A_127 : vector<8x256xf32> to vector<1x8x256xf32>
    tpu.vector_store %arg10[%swap3A_128, %swap3A_129, %swap3A_130], %swap3A_133 {strides = array<i32>} : memref<1x8x256xf32, #tpu.memory_space<vmem>>, vector<1x8x256xf32>,
    %get3A_134 = arith.constant 0 : index
    %get3A_135 = arith.constant 0 : index
    %get3A_136 = vector.load %arg7[%get3A_134, %get3A_135] : memref<256x128xf32, #tpu.memory_space<vmem>>, vector<256x128xf32>
    %get3A_137 = arith.constant 0 : index
    %get3A_138 = arith.constant 0 : index
    %get3A_139 = arith.constant 0 : index
    %get3A_140 = vector.load %arg6[%get3A_137, %get3A_138, %get3A_139] : memref<1x128x256xf32, #tpu.memory_space<vmem>>, vector<1x128x256xf32>
    %get3A_141 = vector.shape_cast %get3A_140 : vector<1x128x256xf32> to vector<128x256xf32>
    %dot_general3A_142 = arith.constant dense<0.000000e+00> : vector<256x256xf32>
    %dot_general3A_143 = tpu.matmul %get3A_136, %get3A_141, %dot_general3A_142 {dimension_numbers = #tpu.dot_dimension_numbers<[1], [0], [0], [1], [0, 0, 1, 1], [], []>, transpose_lhs_hint = false} : vector<256x128xf32>, vector<128x256xf32>, vector<256x256xf32> -> vector<256x256xf32>
    %swap3A_144 = arith.constant 0 : index
    %swap3A_145 = arith.constant 0 : index
    %swap3A_146 = arith.constant 0 : index
    %swap3A_147 = vector.load %arg8[%swap3A_144, %swap3A_145, %swap3A_146] : memref<1x256x256xf32, #tpu.memory_space<vmem>>, vector<1x256x256xf32>
    %swap3A_148 = vector.shape_cast %swap3A_147 : vector<1x256x256xf32> to vector<256x256xf32>
    %swap3A_149 = vector.shape_cast %dot_general3A_143 : vector<256x256xf32> to vector<1x256x256xf32>
    tpu.vector_store %arg8[%swap3A_144, %swap3A_145, %swap3A_146], %swap3A_149 {strides = array<i32>} : memref<1x256x256xf32, #tpu.memory_space<vmem>>, vector<1x256x256xf32>,
    return
  }
  func.func @transform_0(%arg0: i32, %arg1: i32) -> (i32, i32, i32) {
    %c0_i32 = arith.constant 0 : i32
    %c0_i32_0 = arith.constant 0 : i32
    %c0_i32_1 = arith.constant 0 : i32
    return %arg0, %c0_i32, %c0_i32_0 : i32, i32, i32
  }
  func.func @transform_1(%arg0: i32, %arg1: i32) -> (i32, i32, i32) {
    %c0_i32 = arith.constant 0 : i32
    %c0_i32_0 = arith.constant 0 : i32
    return %arg0, %c0_i32, %arg1 : i32, i32, i32
  }
  func.func @transform_2(%arg0: i32, %arg1: i32) -> (i32, i32, i32) {
    %c0_i32 = arith.constant 0 : i32
    %c0_i32_0 = arith.constant 0 : i32
    return %arg0, %c0_i32, %arg1 : i32, i32, i32
  }
  func.func @transform_3(%arg0: i32, %arg1: i32) -> (i32, i32, i32) {
    %c0_i32 = arith.constant 0 : i32
    %c0_i32_0 = arith.constant 0 : i32
    %c0_i32_1 = arith.constant 0 : i32
    return %arg0, %c0_i32, %c0_i32_0 : i32, i32, i32
  }
  func.func @transform_4(%arg0: i32, %arg1: i32) -> (i32, i32, i32) {
    %c0_i32 = arith.constant 0 : i32
    %c0_i32_0 = arith.constant 0 : i32
    return %arg0, %c0_i32, %arg1 : i32, i32, i32
  }
  func.func @transform_5(%arg0: i32, %arg1: i32) -> (i32, i32) {
    %c0_i32 = arith.constant 0 : i32
    %c0_i32_0 = arith.constant 0 : i32
    %c0_i32_1 = arith.constant 0 : i32
    return %c0_i32, %c0_i32_0 : i32, i32
  }
  func.func @transform_6(%arg0: i32, %arg1: i32) -> (i32, i32, i32) {
    %c0_i32 = arith.constant 0 : i32
    %c0_i32_0 = arith.constant 0 : i32
    return %arg0, %c0_i32, %arg1 : i32, i32, i32
  }
  func.func @transform_7(%arg0: i32, %arg1: i32) -> (i32, i32, i32) {
    %c0_i32 = arith.constant 0 : i32
    %c0_i32_0 = arith.constant 0 : i32
    return %arg0, %c0_i32, %arg1 : i32, i32, i32
  }
  func.func @transform_8(%arg0: i32, %arg1: i32) -> (i32, i32, i32) {
    %c0_i32 = arith.constant 0 : i32
    %c0_i32_0 = arith.constant 0 : i32
    return %arg0, %c0_i32, %arg1 : i32, i32, i32
  }
}

module attributes {stable_mosaic.version = 14 : i64} {
  func.func @_stage_b(%arg0: i32, %arg1: i32, %arg2: memref<1x256x256xf32, #tpu.memory_space<vmem>>, %arg3: memref<1x256x256xf32, #tpu.memory_space<vmem>>, %arg4: memref<256x256xf32, #tpu.memory_space<vmem>>, %arg5: memref<1x256x256xf32, #tpu.memory_space<vmem>>, %arg6: memref<1x256x1xf32, #tpu.memory_space<vmem>>, %arg7: memref<1x256x1xf32, #tpu.memory_space<vmem>>) attributes {dimension_semantics = [#tpu.dimension_semantics<parallel>, #tpu.dimension_semantics<arbitrary>], iteration_bounds = array<i64: 8, 16>, scalar_prefetch = 0 : i64, scratch_operands = 0 : i64, tpu.core_type = #tpu.core_type<tc>, window_params = [{transform_indices = @transform_0, window_bounds = array<i64: 1, 256, 256>}, {transform_indices = @transform_1, window_bounds = array<i64: 1, 256, 256>}, {pipeline_mode = #tpu.pipeline_mode<synchronous>, transform_indices = @transform_2, window_bounds = array<i64: 256, 256>}, {transform_indices = @transform_3, window_bounds = array<i64: 1, 256, 256>}, {transform_indices = @transform_4, window_bounds = array<i64: 1, 256, 1>}, {transform_indices = @transform_5, window_bounds = array<i64: 1, 256, 1>}]} {
    %get3A = arith.constant 0 : index
    %get3A_0 = arith.constant 0 : index
    %get3A_1 = arith.constant 0 : index
    %get3A_2 = vector.load %arg2[%get3A, %get3A_0, %get3A_1] : memref<1x256x256xf32, #tpu.memory_space<vmem>>, vector<1x256x256xf32>
    %get3A_3 = vector.shape_cast %get3A_2 : vector<1x256x256xf32> to vector<256x256xf32>
    %get3A_4 = arith.constant 0 : index
    %get3A_5 = arith.constant 0 : index
    %get3A_6 = vector.load %arg4[%get3A_4, %get3A_5] : memref<256x256xf32, #tpu.memory_space<vmem>>, vector<256x256xf32>
    %get3A_7 = arith.constant 0 : index
    %get3A_8 = arith.constant 0 : index
    %get3A_9 = arith.constant 0 : index
    %get3A_10 = vector.load %arg3[%get3A_7, %get3A_8, %get3A_9] : memref<1x256x256xf32, #tpu.memory_space<vmem>>, vector<1x256x256xf32>
    %get3A_11 = vector.shape_cast %get3A_10 : vector<1x256x256xf32> to vector<256x256xf32>
    %dot_general3A = arith.constant dense<0.000000e+00> : vector<256x256xf32>
    %dot_general3A_12 = tpu.matmul %get3A_6, %get3A_11, %dot_general3A {dimension_numbers = #tpu.dot_dimension_numbers<[1], [1], [0], [0], [0, 0, 1, 0], [], []>, transpose_lhs_hint = false} : vector<256x256xf32>, vector<256x256xf32>, vector<256x256xf32> -> vector<256x256xf32>
    %add3A = arith.addf %get3A_3, %dot_general3A_12 : vector<256x256xf32>
    %swap3A = arith.constant 0 : index
    %swap3A_13 = arith.constant 0 : index
    %swap3A_14 = arith.constant 0 : index
    %swap3A_15 = vector.load %arg5[%swap3A, %swap3A_13, %swap3A_14] : memref<1x256x256xf32, #tpu.memory_space<vmem>>, vector<1x256x256xf32>
    %swap3A_16 = vector.shape_cast %swap3A_15 : vector<1x256x256xf32> to vector<256x256xf32>
    %swap3A_17 = vector.shape_cast %add3A : vector<256x256xf32> to vector<1x256x256xf32>
    tpu.vector_store %arg5[%swap3A, %swap3A_13, %swap3A_14], %swap3A_17 {strides = array<i32>} : memref<1x256x256xf32, #tpu.memory_space<vmem>>, vector<1x256x256xf32>,
    %reduce_sum3A = arith.constant dense<0.000000e+00> : vector<256xf32>
    %reduce_sum3A_18 = vector.multi_reduction <add>, %add3A, %reduce_sum3A [1] : vector<256x256xf32> to vector<256xf32>
    %broadcast_in_dim3A = vector.shape_cast %reduce_sum3A_18 : vector<256xf32> to vector<256x1xf32>
    %mul3A = arith.mulf %add3A, %add3A : vector<256x256xf32>
    %reduce_sum3A_19 = arith.constant dense<0.000000e+00> : vector<256xf32>
    %reduce_sum3A_20 = vector.multi_reduction <add>, %mul3A, %reduce_sum3A_19 [1] : vector<256x256xf32> to vector<256xf32>
    %broadcast_in_dim3A_21 = vector.shape_cast %reduce_sum3A_20 : vector<256xf32> to vector<256x1xf32>
    %eq3A = arith.constant 0 : i32
    %eq3A_22 = arith.cmpi eq, %arg1, %eq3A : i32
    %convert_element_type3A = arith.extui %eq3A_22 : i1 to i32
    %cond3A = arith.constant 0 : i32
    %cond3A_23 = arith.cmpi ne, %convert_element_type3A, %cond3A : i32
    scf.if %cond3A_23 {
      %swap3A_28 = arith.constant 0 : index
      %swap3A_29 = arith.constant 0 : index
      %swap3A_30 = arith.constant 0 : index
      %swap3A_31 = vector.load %arg6[%swap3A_28, %swap3A_29, %swap3A_30] : memref<1x256x1xf32, #tpu.memory_space<vmem>>, vector<1x256x1xf32>
      %swap3A_32 = vector.shape_cast %swap3A_31 : vector<1x256x1xf32> to vector<256x1xf32>
      %swap3A_33 = vector.shape_cast %broadcast_in_dim3A : vector<256x1xf32> to vector<1x256x1xf32>
      tpu.vector_store %arg6[%swap3A_28, %swap3A_29, %swap3A_30], %swap3A_33 {strides = array<i32>} : memref<1x256x1xf32, #tpu.memory_space<vmem>>, vector<1x256x1xf32>,
      %swap3A_34 = arith.constant 0 : index
      %swap3A_35 = arith.constant 0 : index
      %swap3A_36 = arith.constant 0 : index
      %swap3A_37 = vector.load %arg7[%swap3A_34, %swap3A_35, %swap3A_36] : memref<1x256x1xf32, #tpu.memory_space<vmem>>, vector<1x256x1xf32>
      %swap3A_38 = vector.shape_cast %swap3A_37 : vector<1x256x1xf32> to vector<256x1xf32>
      %swap3A_39 = vector.shape_cast %broadcast_in_dim3A_21 : vector<256x1xf32> to vector<1x256x1xf32>
      tpu.vector_store %arg7[%swap3A_34, %swap3A_35, %swap3A_36], %swap3A_39 {strides = array<i32>} : memref<1x256x1xf32, #tpu.memory_space<vmem>>, vector<1x256x1xf32>,
    } else {
    }
    %not3A = arith.constant true
    %not3A_24 = arith.xori %eq3A_22, %not3A : i1
    %convert_element_type3A_25 = arith.extui %not3A_24 : i1 to i32
    %cond3A_26 = arith.constant 0 : i32
    %cond3A_27 = arith.cmpi ne, %convert_element_type3A_25, %cond3A_26 : i32
    scf.if %cond3A_27 {
      %get3A_28 = arith.constant 0 : index
      %get3A_29 = arith.constant 0 : index
      %get3A_30 = arith.constant 0 : index
      %get3A_31 = vector.load %arg6[%get3A_28, %get3A_29, %get3A_30] : memref<1x256x1xf32, #tpu.memory_space<vmem>>, vector<1x256x1xf32>
      %get3A_32 = vector.shape_cast %get3A_31 : vector<1x256x1xf32> to vector<256x1xf32>
      %add3A_33 = arith.addf %get3A_32, %broadcast_in_dim3A : vector<256x1xf32>
      %swap3A_34 = arith.constant 0 : index
      %swap3A_35 = arith.constant 0 : index
      %swap3A_36 = arith.constant 0 : index
      %swap3A_37 = vector.load %arg6[%swap3A_34, %swap3A_35, %swap3A_36] : memref<1x256x1xf32, #tpu.memory_space<vmem>>, vector<1x256x1xf32>
      %swap3A_38 = vector.shape_cast %swap3A_37 : vector<1x256x1xf32> to vector<256x1xf32>
      %swap3A_39 = vector.shape_cast %add3A_33 : vector<256x1xf32> to vector<1x256x1xf32>
      tpu.vector_store %arg6[%swap3A_34, %swap3A_35, %swap3A_36], %swap3A_39 {strides = array<i32>} : memref<1x256x1xf32, #tpu.memory_space<vmem>>, vector<1x256x1xf32>,
      %get3A_40 = arith.constant 0 : index
      %get3A_41 = arith.constant 0 : index
      %get3A_42 = arith.constant 0 : index
      %get3A_43 = vector.load %arg7[%get3A_40, %get3A_41, %get3A_42] : memref<1x256x1xf32, #tpu.memory_space<vmem>>, vector<1x256x1xf32>
      %get3A_44 = vector.shape_cast %get3A_43 : vector<1x256x1xf32> to vector<256x1xf32>
      %add3A_45 = arith.addf %get3A_44, %broadcast_in_dim3A_21 : vector<256x1xf32>
      %swap3A_46 = arith.constant 0 : index
      %swap3A_47 = arith.constant 0 : index
      %swap3A_48 = arith.constant 0 : index
      %swap3A_49 = vector.load %arg7[%swap3A_46, %swap3A_47, %swap3A_48] : memref<1x256x1xf32, #tpu.memory_space<vmem>>, vector<1x256x1xf32>
      %swap3A_50 = vector.shape_cast %swap3A_49 : vector<1x256x1xf32> to vector<256x1xf32>
      %swap3A_51 = vector.shape_cast %add3A_45 : vector<256x1xf32> to vector<1x256x1xf32>
      tpu.vector_store %arg7[%swap3A_46, %swap3A_47, %swap3A_48], %swap3A_51 {strides = array<i32>} : memref<1x256x1xf32, #tpu.memory_space<vmem>>, vector<1x256x1xf32>,
    } else {
    }
    return
  }
  func.func @transform_0(%arg0: i32, %arg1: i32) -> (i32, i32, i32) {
    %c0_i32 = arith.constant 0 : i32
    %c0_i32_0 = arith.constant 0 : i32
    return %arg0, %c0_i32, %arg1 : i32, i32, i32
  }
  func.func @transform_1(%arg0: i32, %arg1: i32) -> (i32, i32, i32) {
    %c0_i32 = arith.constant 0 : i32
    %c0_i32_0 = arith.constant 0 : i32
    return %arg0, %arg1, %c0_i32 : i32, i32, i32
  }
  func.func @transform_2(%arg0: i32, %arg1: i32) -> (i32, i32) {
    %c0_i32 = arith.constant 0 : i32
    %c0_i32_0 = arith.constant 0 : i32
    %c0_i32_1 = arith.constant 0 : i32
    return %c0_i32, %c0_i32_0 : i32, i32
  }
  func.func @transform_3(%arg0: i32, %arg1: i32) -> (i32, i32, i32) {
    %c0_i32 = arith.constant 0 : i32
    %c0_i32_0 = arith.constant 0 : i32
    return %arg0, %c0_i32, %arg1 : i32, i32, i32
  }
  func.func @transform_4(%arg0: i32, %arg1: i32) -> (i32, i32, i32) {
    %c0_i32 = arith.constant 0 : i32
    %c0_i32_0 = arith.constant 0 : i32
    %c0_i32_1 = arith.constant 0 : i32
    return %arg0, %c0_i32, %c0_i32_0 : i32, i32, i32
  }
  func.func @transform_5(%arg0: i32, %arg1: i32) -> (i32, i32, i32) {
    %c0_i32 = arith.constant 0 : i32
    %c0_i32_0 = arith.constant 0 : i32
    %c0_i32_1 = arith.constant 0 : i32
    return %arg0, %c0_i32, %c0_i32_0 : i32, i32, i32
  }
}

module attributes {stable_mosaic.version = 14 : i64} {
  func.func @_stage_c(%arg0: i32, %arg1: i32, %arg2: memref<1x256x256xf32, #tpu.memory_space<vmem>>, %arg3: memref<8x256x1xf32, #tpu.memory_space<vmem>>, %arg4: memref<8x256x1xf32, #tpu.memory_space<vmem>>, %arg5: memref<256x1xf32, #tpu.memory_space<vmem>>, %arg6: memref<256x1xf32, #tpu.memory_space<vmem>>, %arg7: memref<128x256xf32, #tpu.memory_space<vmem>>, %arg8: memref<1x128x256xf32, #tpu.memory_space<vmem>>, %arg9: memref<1x128x1xf32, #tpu.memory_space<vmem>>, %arg10: memref<1x128x1xf32, #tpu.memory_space<vmem>>) attributes {dimension_semantics = [#tpu.dimension_semantics<parallel>, #tpu.dimension_semantics<arbitrary>], iteration_bounds = array<i64: 8, 16>, scalar_prefetch = 0 : i64, scratch_operands = 0 : i64, tpu.core_type = #tpu.core_type<tc>, window_params = [{transform_indices = @transform_0, window_bounds = array<i64: 1, 256, 256>}, {pipeline_mode = #tpu.pipeline_mode<synchronous>, transform_indices = @transform_1, window_bounds = array<i64: 8, 256, 1>}, {pipeline_mode = #tpu.pipeline_mode<synchronous>, transform_indices = @transform_2, window_bounds = array<i64: 8, 256, 1>}, {pipeline_mode = #tpu.pipeline_mode<synchronous>, transform_indices = @transform_3, window_bounds = array<i64: 256, 1>}, {pipeline_mode = #tpu.pipeline_mode<synchronous>, transform_indices = @transform_4, window_bounds = array<i64: 256, 1>}, {pipeline_mode = #tpu.pipeline_mode<synchronous>, transform_indices = @transform_5, window_bounds = array<i64: 128, 256>}, {transform_indices = @transform_6, window_bounds = array<i64: 1, 128, 256>}, {transform_indices = @transform_7, window_bounds = array<i64: 1, 128, 1>}, {transform_indices = @transform_8, window_bounds = array<i64: 1, 128, 1>}]} {
    %get3A = arith.constant 0 : index
    %get3A_0 = arith.constant 0 : index
    %get3A_1 = arith.constant 0 : index
    %get3A_2 = vector.load %arg3[%get3A, %get3A_0, %get3A_1] : memref<8x256x1xf32, #tpu.memory_space<vmem>>, vector<8x256x1xf32>
    %reduce_sum3A = arith.constant dense<0.000000e+00> : vector<256x1xf32>
    %reduce_sum3A_3 = vector.multi_reduction <add>, %get3A_2, %reduce_sum3A [0] : vector<8x256x1xf32> to vector<256x1xf32>
    %div3A = arith.constant 3.276800e+04 : f32
    %div3A_4 = vector.broadcast %div3A : f32 to vector<256x1xf32>
    %div3A_5 = arith.divf %reduce_sum3A_3, %div3A_4 : vector<256x1xf32>
    %get3A_6 = arith.constant 0 : index
    %get3A_7 = arith.constant 0 : index
    %get3A_8 = arith.constant 0 : index
    %get3A_9 = vector.load %arg4[%get3A_6, %get3A_7, %get3A_8] : memref<8x256x1xf32, #tpu.memory_space<vmem>>, vector<8x256x1xf32>
    %reduce_sum3A_10 = arith.constant dense<0.000000e+00> : vector<256x1xf32>
    %reduce_sum3A_11 = vector.multi_reduction <add>, %get3A_9, %reduce_sum3A_10 [0] : vector<8x256x1xf32> to vector<256x1xf32>
    %div3A_12 = arith.constant 3.276800e+04 : f32
    %div3A_13 = vector.broadcast %div3A_12 : f32 to vector<256x1xf32>
    %div3A_14 = arith.divf %reduce_sum3A_11, %div3A_13 : vector<256x1xf32>
    %mul3A = arith.mulf %div3A_5, %div3A_5 : vector<256x1xf32>
    %sub3A = arith.subf %div3A_14, %mul3A : vector<256x1xf32>
    %get3A_15 = arith.constant 0 : index
    %get3A_16 = arith.constant 0 : index
    %get3A_17 = vector.load %arg5[%get3A_15, %get3A_16] : memref<256x1xf32, #tpu.memory_space<vmem>>, vector<256x1xf32>
    %add3A = arith.constant 9.99999974E-6 : f32
    %add3A_18 = vector.broadcast %add3A : f32 to vector<256x1xf32>
    %add3A_19 = arith.addf %sub3A, %add3A_18 : vector<256x1xf32>
    %rsqrt3A = math.rsqrt %add3A_19 : vector<256x1xf32>
    %mul3A_20 = arith.mulf %get3A_17, %rsqrt3A : vector<256x1xf32>
    %get3A_21 = arith.constant 0 : index
    %get3A_22 = arith.constant 0 : index
    %get3A_23 = vector.load %arg6[%get3A_21, %get3A_22] : memref<256x1xf32, #tpu.memory_space<vmem>>, vector<256x1xf32>
    %mul3A_24 = arith.mulf %div3A_5, %mul3A_20 : vector<256x1xf32>
    %sub3A_25 = arith.subf %get3A_23, %mul3A_24 : vector<256x1xf32>
    %get3A_26 = arith.constant 0 : index
    %get3A_27 = arith.constant 0 : index
    %get3A_28 = arith.constant 0 : index
    %get3A_29 = vector.load %arg2[%get3A_26, %get3A_27, %get3A_28] : memref<1x256x256xf32, #tpu.memory_space<vmem>>, vector<1x256x256xf32>
    %get3A_30 = vector.shape_cast %get3A_29 : vector<1x256x256xf32> to vector<256x256xf32>
    %mul3A_31 = vector.broadcast %mul3A_20 : vector<256x1xf32> to vector<256x256xf32>
    %mul3A_32 = arith.mulf %mul3A_31, %get3A_30 : vector<256x256xf32>
    %add3A_33 = vector.broadcast %sub3A_25 : vector<256x1xf32> to vector<256x256xf32>
    %add3A_34 = arith.addf %mul3A_32, %add3A_33 : vector<256x256xf32>
    %max3A = arith.constant 0.000000e+00 : f32
    %max3A_35 = vector.broadcast %max3A : f32 to vector<256x256xf32>
    %max3A_36 = arith.maximumf %add3A_34, %max3A_35 : vector<256x256xf32>
    %get3A_37 = arith.constant 0 : index
    %get3A_38 = arith.constant 0 : index
    %get3A_39 = vector.load %arg7[%get3A_37, %get3A_38] : memref<128x256xf32, #tpu.memory_space<vmem>>, vector<128x256xf32>
    %dot_general3A = arith.constant dense<0.000000e+00> : vector<128x256xf32>
    %dot_general3A_40 = tpu.matmul %get3A_39, %max3A_36, %dot_general3A {dimension_numbers = #tpu.dot_dimension_numbers<[1], [0], [0], [1], [0, 0, 1, 1], [], []>, transpose_lhs_hint = false} : vector<128x256xf32>, vector<256x256xf32>, vector<128x256xf32> -> vector<128x256xf32>
    %swap3A = arith.constant 0 : index
    %swap3A_41 = arith.constant 0 : index
    %swap3A_42 = arith.constant 0 : index
    %swap3A_43 = vector.load %arg8[%swap3A, %swap3A_41, %swap3A_42] : memref<1x128x256xf32, #tpu.memory_space<vmem>>, vector<1x128x256xf32>
    %swap3A_44 = vector.shape_cast %swap3A_43 : vector<1x128x256xf32> to vector<128x256xf32>
    %swap3A_45 = vector.shape_cast %dot_general3A_40 : vector<128x256xf32> to vector<1x128x256xf32>
    tpu.vector_store %arg8[%swap3A, %swap3A_41, %swap3A_42], %swap3A_45 {strides = array<i32>} : memref<1x128x256xf32, #tpu.memory_space<vmem>>, vector<1x128x256xf32>,
    %reduce_sum3A_46 = arith.constant dense<0.000000e+00> : vector<128xf32>
    %reduce_sum3A_47 = vector.multi_reduction <add>, %dot_general3A_40, %reduce_sum3A_46 [1] : vector<128x256xf32> to vector<128xf32>
    %broadcast_in_dim3A = vector.shape_cast %reduce_sum3A_47 : vector<128xf32> to vector<128x1xf32>
    %mul3A_48 = arith.mulf %dot_general3A_40, %dot_general3A_40 : vector<128x256xf32>
    %reduce_sum3A_49 = arith.constant dense<0.000000e+00> : vector<128xf32>
    %reduce_sum3A_50 = vector.multi_reduction <add>, %mul3A_48, %reduce_sum3A_49 [1] : vector<128x256xf32> to vector<128xf32>
    %broadcast_in_dim3A_51 = vector.shape_cast %reduce_sum3A_50 : vector<128xf32> to vector<128x1xf32>
    %eq3A = arith.constant 0 : i32
    %eq3A_52 = arith.cmpi eq, %arg1, %eq3A : i32
    %convert_element_type3A = arith.extui %eq3A_52 : i1 to i32
    %cond3A = arith.constant 0 : i32
    %cond3A_53 = arith.cmpi ne, %convert_element_type3A, %cond3A : i32
    scf.if %cond3A_53 {
      %swap3A_58 = arith.constant 0 : index
      %swap3A_59 = arith.constant 0 : index
      %swap3A_60 = arith.constant 0 : index
      %swap3A_61 = vector.load %arg9[%swap3A_58, %swap3A_59, %swap3A_60] : memref<1x128x1xf32, #tpu.memory_space<vmem>>, vector<1x128x1xf32>
      %swap3A_62 = vector.shape_cast %swap3A_61 : vector<1x128x1xf32> to vector<128x1xf32>
      %swap3A_63 = vector.shape_cast %broadcast_in_dim3A : vector<128x1xf32> to vector<1x128x1xf32>
      tpu.vector_store %arg9[%swap3A_58, %swap3A_59, %swap3A_60], %swap3A_63 {strides = array<i32>} : memref<1x128x1xf32, #tpu.memory_space<vmem>>, vector<1x128x1xf32>,
      %swap3A_64 = arith.constant 0 : index
      %swap3A_65 = arith.constant 0 : index
      %swap3A_66 = arith.constant 0 : index
      %swap3A_67 = vector.load %arg10[%swap3A_64, %swap3A_65, %swap3A_66] : memref<1x128x1xf32, #tpu.memory_space<vmem>>, vector<1x128x1xf32>
      %swap3A_68 = vector.shape_cast %swap3A_67 : vector<1x128x1xf32> to vector<128x1xf32>
      %swap3A_69 = vector.shape_cast %broadcast_in_dim3A_51 : vector<128x1xf32> to vector<1x128x1xf32>
      tpu.vector_store %arg10[%swap3A_64, %swap3A_65, %swap3A_66], %swap3A_69 {strides = array<i32>} : memref<1x128x1xf32, #tpu.memory_space<vmem>>, vector<1x128x1xf32>,
    } else {
    }
    %not3A = arith.constant true
    %not3A_54 = arith.xori %eq3A_52, %not3A : i1
    %convert_element_type3A_55 = arith.extui %not3A_54 : i1 to i32
    %cond3A_56 = arith.constant 0 : i32
    %cond3A_57 = arith.cmpi ne, %convert_element_type3A_55, %cond3A_56 : i32
    scf.if %cond3A_57 {
      %get3A_58 = arith.constant 0 : index
      %get3A_59 = arith.constant 0 : index
      %get3A_60 = arith.constant 0 : index
      %get3A_61 = vector.load %arg9[%get3A_58, %get3A_59, %get3A_60] : memref<1x128x1xf32, #tpu.memory_space<vmem>>, vector<1x128x1xf32>
      %get3A_62 = vector.shape_cast %get3A_61 : vector<1x128x1xf32> to vector<128x1xf32>
      %add3A_63 = arith.addf %get3A_62, %broadcast_in_dim3A : vector<128x1xf32>
      %swap3A_64 = arith.constant 0 : index
      %swap3A_65 = arith.constant 0 : index
      %swap3A_66 = arith.constant 0 : index
      %swap3A_67 = vector.load %arg9[%swap3A_64, %swap3A_65, %swap3A_66] : memref<1x128x1xf32, #tpu.memory_space<vmem>>, vector<1x128x1xf32>
      %swap3A_68 = vector.shape_cast %swap3A_67 : vector<1x128x1xf32> to vector<128x1xf32>
      %swap3A_69 = vector.shape_cast %add3A_63 : vector<128x1xf32> to vector<1x128x1xf32>
      tpu.vector_store %arg9[%swap3A_64, %swap3A_65, %swap3A_66], %swap3A_69 {strides = array<i32>} : memref<1x128x1xf32, #tpu.memory_space<vmem>>, vector<1x128x1xf32>,
      %get3A_70 = arith.constant 0 : index
      %get3A_71 = arith.constant 0 : index
      %get3A_72 = arith.constant 0 : index
      %get3A_73 = vector.load %arg10[%get3A_70, %get3A_71, %get3A_72] : memref<1x128x1xf32, #tpu.memory_space<vmem>>, vector<1x128x1xf32>
      %get3A_74 = vector.shape_cast %get3A_73 : vector<1x128x1xf32> to vector<128x1xf32>
      %add3A_75 = arith.addf %get3A_74, %broadcast_in_dim3A_51 : vector<128x1xf32>
      %swap3A_76 = arith.constant 0 : index
      %swap3A_77 = arith.constant 0 : index
      %swap3A_78 = arith.constant 0 : index
      %swap3A_79 = vector.load %arg10[%swap3A_76, %swap3A_77, %swap3A_78] : memref<1x128x1xf32, #tpu.memory_space<vmem>>, vector<1x128x1xf32>
      %swap3A_80 = vector.shape_cast %swap3A_79 : vector<1x128x1xf32> to vector<128x1xf32>
      %swap3A_81 = vector.shape_cast %add3A_75 : vector<128x1xf32> to vector<1x128x1xf32>
      tpu.vector_store %arg10[%swap3A_76, %swap3A_77, %swap3A_78], %swap3A_81 {strides = array<i32>} : memref<1x128x1xf32, #tpu.memory_space<vmem>>, vector<1x128x1xf32>,
    } else {
    }
    return
  }
  func.func @transform_0(%arg0: i32, %arg1: i32) -> (i32, i32, i32) {
    %c0_i32 = arith.constant 0 : i32
    %c0_i32_0 = arith.constant 0 : i32
    return %arg0, %c0_i32, %arg1 : i32, i32, i32
  }
  func.func @transform_1(%arg0: i32, %arg1: i32) -> (i32, i32, i32) {
    %c0_i32 = arith.constant 0 : i32
    %c0_i32_0 = arith.constant 0 : i32
    %c0_i32_1 = arith.constant 0 : i32
    %c0_i32_2 = arith.constant 0 : i32
    return %c0_i32, %c0_i32_0, %c0_i32_1 : i32, i32, i32
  }
  func.func @transform_2(%arg0: i32, %arg1: i32) -> (i32, i32, i32) {
    %c0_i32 = arith.constant 0 : i32
    %c0_i32_0 = arith.constant 0 : i32
    %c0_i32_1 = arith.constant 0 : i32
    %c0_i32_2 = arith.constant 0 : i32
    return %c0_i32, %c0_i32_0, %c0_i32_1 : i32, i32, i32
  }
  func.func @transform_3(%arg0: i32, %arg1: i32) -> (i32, i32) {
    %c0_i32 = arith.constant 0 : i32
    %c0_i32_0 = arith.constant 0 : i32
    %c0_i32_1 = arith.constant 0 : i32
    return %c0_i32, %c0_i32_0 : i32, i32
  }
  func.func @transform_4(%arg0: i32, %arg1: i32) -> (i32, i32) {
    %c0_i32 = arith.constant 0 : i32
    %c0_i32_0 = arith.constant 0 : i32
    %c0_i32_1 = arith.constant 0 : i32
    return %c0_i32, %c0_i32_0 : i32, i32
  }
  func.func @transform_5(%arg0: i32, %arg1: i32) -> (i32, i32) {
    %c0_i32 = arith.constant 0 : i32
    %c0_i32_0 = arith.constant 0 : i32
    %c0_i32_1 = arith.constant 0 : i32
    return %c0_i32, %c0_i32_0 : i32, i32
  }
  func.func @transform_6(%arg0: i32, %arg1: i32) -> (i32, i32, i32) {
    %c0_i32 = arith.constant 0 : i32
    %c0_i32_0 = arith.constant 0 : i32
    return %arg0, %c0_i32, %arg1 : i32, i32, i32
  }
  func.func @transform_7(%arg0: i32, %arg1: i32) -> (i32, i32, i32) {
    %c0_i32 = arith.constant 0 : i32
    %c0_i32_0 = arith.constant 0 : i32
    %c0_i32_1 = arith.constant 0 : i32
    return %arg0, %c0_i32, %c0_i32_0 : i32, i32, i32
  }
  func.func @transform_8(%arg0: i32, %arg1: i32) -> (i32, i32, i32) {
    %c0_i32 = arith.constant 0 : i32
    %c0_i32_0 = arith.constant 0 : i32
    %c0_i32_1 = arith.constant 0 : i32
    return %arg0, %c0_i32, %c0_i32_0 : i32, i32, i32
  }
}

module attributes {stable_mosaic.version = 14 : i64} {
  func.func @_stage_d(%arg0: i32, %arg1: i32, %arg2: memref<1x128x256xf32, #tpu.memory_space<vmem>>, %arg3: memref<8x128x1xf32, #tpu.memory_space<vmem>>, %arg4: memref<8x128x1xf32, #tpu.memory_space<vmem>>, %arg5: memref<128x1xf32, #tpu.memory_space<vmem>>, %arg6: memref<128x1xf32, #tpu.memory_space<vmem>>, %arg7: memref<1x128x256xf32, #tpu.memory_space<vmem>>) attributes {dimension_semantics = [#tpu.dimension_semantics<parallel>, #tpu.dimension_semantics<arbitrary>], iteration_bounds = array<i64: 8, 16>, scalar_prefetch = 0 : i64, scratch_operands = 0 : i64, tpu.core_type = #tpu.core_type<tc>, window_params = [{transform_indices = @transform_0, window_bounds = array<i64: 1, 128, 256>}, {pipeline_mode = #tpu.pipeline_mode<synchronous>, transform_indices = @transform_1, window_bounds = array<i64: 8, 128, 1>}, {pipeline_mode = #tpu.pipeline_mode<synchronous>, transform_indices = @transform_2, window_bounds = array<i64: 8, 128, 1>}, {pipeline_mode = #tpu.pipeline_mode<synchronous>, transform_indices = @transform_3, window_bounds = array<i64: 128, 1>}, {pipeline_mode = #tpu.pipeline_mode<synchronous>, transform_indices = @transform_4, window_bounds = array<i64: 128, 1>}, {transform_indices = @transform_5, window_bounds = array<i64: 1, 128, 256>}]} {
    %get3A = arith.constant 0 : index
    %get3A_0 = arith.constant 0 : index
    %get3A_1 = arith.constant 0 : index
    %get3A_2 = vector.load %arg3[%get3A, %get3A_0, %get3A_1] : memref<8x128x1xf32, #tpu.memory_space<vmem>>, vector<8x128x1xf32>
    %reduce_sum3A = arith.constant dense<0.000000e+00> : vector<128x1xf32>
    %reduce_sum3A_3 = vector.multi_reduction <add>, %get3A_2, %reduce_sum3A [0] : vector<8x128x1xf32> to vector<128x1xf32>
    %div3A = arith.constant 3.276800e+04 : f32
    %div3A_4 = vector.broadcast %div3A : f32 to vector<128x1xf32>
    %div3A_5 = arith.divf %reduce_sum3A_3, %div3A_4 : vector<128x1xf32>
    %get3A_6 = arith.constant 0 : index
    %get3A_7 = arith.constant 0 : index
    %get3A_8 = arith.constant 0 : index
    %get3A_9 = vector.load %arg4[%get3A_6, %get3A_7, %get3A_8] : memref<8x128x1xf32, #tpu.memory_space<vmem>>, vector<8x128x1xf32>
    %reduce_sum3A_10 = arith.constant dense<0.000000e+00> : vector<128x1xf32>
    %reduce_sum3A_11 = vector.multi_reduction <add>, %get3A_9, %reduce_sum3A_10 [0] : vector<8x128x1xf32> to vector<128x1xf32>
    %div3A_12 = arith.constant 3.276800e+04 : f32
    %div3A_13 = vector.broadcast %div3A_12 : f32 to vector<128x1xf32>
    %div3A_14 = arith.divf %reduce_sum3A_11, %div3A_13 : vector<128x1xf32>
    %mul3A = arith.mulf %div3A_5, %div3A_5 : vector<128x1xf32>
    %sub3A = arith.subf %div3A_14, %mul3A : vector<128x1xf32>
    %get3A_15 = arith.constant 0 : index
    %get3A_16 = arith.constant 0 : index
    %get3A_17 = vector.load %arg5[%get3A_15, %get3A_16] : memref<128x1xf32, #tpu.memory_space<vmem>>, vector<128x1xf32>
    %add3A = arith.constant 9.99999974E-6 : f32
    %add3A_18 = vector.broadcast %add3A : f32 to vector<128x1xf32>
    %add3A_19 = arith.addf %sub3A, %add3A_18 : vector<128x1xf32>
    %rsqrt3A = math.rsqrt %add3A_19 : vector<128x1xf32>
    %mul3A_20 = arith.mulf %get3A_17, %rsqrt3A : vector<128x1xf32>
    %get3A_21 = arith.constant 0 : index
    %get3A_22 = arith.constant 0 : index
    %get3A_23 = vector.load %arg6[%get3A_21, %get3A_22] : memref<128x1xf32, #tpu.memory_space<vmem>>, vector<128x1xf32>
    %mul3A_24 = arith.mulf %div3A_5, %mul3A_20 : vector<128x1xf32>
    %sub3A_25 = arith.subf %get3A_23, %mul3A_24 : vector<128x1xf32>
    %get3A_26 = arith.constant 0 : index
    %get3A_27 = arith.constant 0 : index
    %get3A_28 = arith.constant 0 : index
    %get3A_29 = vector.load %arg2[%get3A_26, %get3A_27, %get3A_28] : memref<1x128x256xf32, #tpu.memory_space<vmem>>, vector<1x128x256xf32>
    %get3A_30 = vector.shape_cast %get3A_29 : vector<1x128x256xf32> to vector<128x256xf32>
    %mul3A_31 = vector.broadcast %mul3A_20 : vector<128x1xf32> to vector<128x256xf32>
    %mul3A_32 = arith.mulf %mul3A_31, %get3A_30 : vector<128x256xf32>
    %add3A_33 = vector.broadcast %sub3A_25 : vector<128x1xf32> to vector<128x256xf32>
    %add3A_34 = arith.addf %mul3A_32, %add3A_33 : vector<128x256xf32>
    %max3A = arith.constant 0.000000e+00 : f32
    %max3A_35 = vector.broadcast %max3A : f32 to vector<128x256xf32>
    %max3A_36 = arith.maximumf %add3A_34, %max3A_35 : vector<128x256xf32>
    %swap3A = arith.constant 0 : index
    %swap3A_37 = arith.constant 0 : index
    %swap3A_38 = arith.constant 0 : index
    %swap3A_39 = vector.load %arg7[%swap3A, %swap3A_37, %swap3A_38] : memref<1x128x256xf32, #tpu.memory_space<vmem>>, vector<1x128x256xf32>
    %swap3A_40 = vector.shape_cast %swap3A_39 : vector<1x128x256xf32> to vector<128x256xf32>
    %swap3A_41 = vector.shape_cast %max3A_36 : vector<128x256xf32> to vector<1x128x256xf32>
    tpu.vector_store %arg7[%swap3A, %swap3A_37, %swap3A_38], %swap3A_41 {strides = array<i32>} : memref<1x128x256xf32, #tpu.memory_space<vmem>>, vector<1x128x256xf32>,
    return
  }
  func.func @transform_0(%arg0: i32, %arg1: i32) -> (i32, i32, i32) {
    %c0_i32 = arith.constant 0 : i32
    %c0_i32_0 = arith.constant 0 : i32
    return %arg0, %c0_i32, %arg1 : i32, i32, i32
  }
  func.func @transform_1(%arg0: i32, %arg1: i32) -> (i32, i32, i32) {
    %c0_i32 = arith.constant 0 : i32
    %c0_i32_0 = arith.constant 0 : i32
    %c0_i32_1 = arith.constant 0 : i32
    %c0_i32_2 = arith.constant 0 : i32
    return %c0_i32, %c0_i32_0, %c0_i32_1 : i32, i32, i32
  }
  func.func @transform_2(%arg0: i32, %arg1: i32) -> (i32, i32, i32) {
    %c0_i32 = arith.constant 0 : i32
    %c0_i32_0 = arith.constant 0 : i32
    %c0_i32_1 = arith.constant 0 : i32
    %c0_i32_2 = arith.constant 0 : i32
    return %c0_i32, %c0_i32_0, %c0_i32_1 : i32, i32, i32
  }
  func.func @transform_3(%arg0: i32, %arg1: i32) -> (i32, i32) {
    %c0_i32 = arith.constant 0 : i32
    %c0_i32_0 = arith.constant 0 : i32
    %c0_i32_1 = arith.constant 0 : i32
    return %c0_i32, %c0_i32_0 : i32, i32
  }
  func.func @transform_4(%arg0: i32, %arg1: i32) -> (i32, i32) {
    %c0_i32 = arith.constant 0 : i32
    %c0_i32_0 = arith.constant 0 : i32
    %c0_i32_1 = arith.constant 0 : i32
    return %c0_i32, %c0_i32_0 : i32, i32
  }
  func.func @transform_5(%arg0: i32, %arg1: i32) -> (i32, i32, i32) {
    %c0_i32 = arith.constant 0 : i32
    %c0_i32_0 = arith.constant 0 : i32
    return %arg0, %c0_i32, %arg1 : i32, i32, i32
  }
}

</mosaic_0001>

<sc_bundles>
// kernel: kernel.7.cloned.1.call-start
scs
__scs_entry_jumppad:
0x0: {  	(pc) =	sbr.rel $0x88, $3  }
0x1: {  	(tag) =	ssettag $0x0;
	lr =	simm.s32 $0x1  }
0x2: {  	[smem:$0x3F97] =	sst lr;
	_ =	strace $0xD0000000  }
0x3: {  	_ = 	snop  }
0x4: {  	_ = 	snop  }
0x5: {  	_ = 	snop  }
0x6: {  	_ = 	snop  }
0x7: {  	_ = 	snop  }
__scs_overlays_trampoline_lowered:
0x8: {  	[smem:$0x3FA6] =	sst s0  }
0x9: {  	[smem:$0x3FA7] =	sst s1  }
0xa: {  	[smem:$0x3FA8] =	sst s2  }
0xb: {  	[smem:$0x3FA9] =	sst s3  }
0xc: {  	[smem:$0x3FAA] =	sst s4  }
0xd: {  	[smem:$0x3FAB] =	sst s5  }
0xe: {  	[smem:$0x3FAC] =	sst s6  }
0xf: {  	[smem:$0x3FAD] =	sst s7  }
0x10: {  	[smem:$0x3FAE] =	sst s8  }
0x11: {  	[smem:$0x3FAF] =	sst s9;
	s0 =	simm.s32 @!p0 $0x0  }
0x12: {  	s1 =	sld [smem:$0x3F95];
	s0 =	simm.s32 @p0 $0x1  }
0x13: {  	[smem:$0x3FB0] =	sst s0;
	s0 =	simm.s32 @!p1 $0x0  }
0x14: {  	s2 =	sld [smem:$0x3F94];
	s0 =	simm.s32 @p1 $0x1  }
0x15: {  	[smem:$0x3FB1] =	sst s0;
	s0 =	simm.s32 @!p2 $0x0  }
0x16: {  	s3 =	sld [smem:$0x3FDB];
	s0 =	simm.s32 @p2 $0x1  }
0x17: {  	s4 =	simm.s32 $0x1BF5;
	[smem:$0x3FB3] =	sst s0  }
0x18: {  	s0 =	sld [smem:$0x3F96];
	_ =	swait.ge [sflag:s4], $0x0  }
0x19: {  	s7 =	sld [smem:$0x3F97]  }
0x1a: {  	s8 =	sadd.s32 $0xFFFFE003, lr  }
0x1b: {  	s9 =	sadd.s32 $0xFFFFFEF7, lr;
	s5 =	simm.s32 $0xFFFFFFFF;
	p2 =	slt.u32 s8, $0xFFFFF086  }
0x1c: {  	p1 =	slt.u32 s9, $0xF7A;
	s5 =	simm.s32 @!p2 $0x0  }
0x1d: {  	s5 =	simm.s32 @p1 $0x1;
	p0 =	seq.s32 s7, s2  }
0x1e: {  	s7 =	smul.u32 @!p0 $0xF7A, s2;
	p2 =	seq.s32 @!p0 s5, $0x0  }
0x1f: {  	s9 =	smul.u32 $0xF7A, s1;
	s8 =	simm.s32 @!p0 $0x1BF5;
	p2 =	por !p2, p0  }
0x20: {  	[sflag:s8] =	ssyncset.s32 @!p0 $0xFFFFF086;
	s6 =	sadd.s32 @!p0 s3, s7;
	s7 =	simm.s32 @!p0 $0x108  }
0x21: {  	s3 =	sadd.s32 s3, s9;
	s6 =	sadd.s32 @!p0 $0x88, s6;
	s7 =	simm.s32 @p2 $0x1082  }
0x22: {  	[simem:s7], [sflag:s8] =	dma.local @!p0 [hbm:s6], $0xF7A  }
0x23: {  	s9 =	sor.u32 $0xD0000000, s2;
	s6 =	simm.s32 $0x108;
	_ =	swait.ge @!p0 [sflag:s8], $0x0  }
0x24: {  	s3 =	sadd.s32 $0x88, s3;
	s6 =	simm.s32 @!p1 $0x1082;
	[sflag:s4] =	ssyncset.s32 $0xFFFFF086  }
0x25: {  	[simem:s6], [sflag:s4] =	dma.local [hbm:s3], $0xF7A  }
0x26: {  	[smem:$0x3F97] =	sst s1;
	(tag) =	ssettag s2;
	_ =	strace s9  }
0x27: {  	s1 =	sld [smem:$0x3FA7]  }
0x28: {  	s2 =	sld [smem:$0x3FA8]  }
0x29: {  	s4 =	sld [smem:$0x3FAA]  }
0x2a: {  	p0 =	seq.s32 s5, $0x0;
	s5 =	sld [smem:$0x3FAB]  }
0x2b: {  	s6 =	sld [smem:$0x3FAC]  }
0x2c: {  	s7 =	sld [smem:$0x3FAD]  }
0x2d: {  	s3 =	simm.s32 $0x108;
	s8 =	sld [smem:$0x3FAE]  }
0x2e: {  	s3 =	simm.s32 @!p0 $0x1082;
	s9 =	sld [smem:$0x3FAF]  }
0x2f: {  	lr =	sadd.s32 s0, s3;
	s0 =	sld [smem:$0x3FA6]  }
0x30: {  	s3 =	sld [smem:$0x3FA9]  }
0x31: {  	[smem:$0x3FB2] =	sst s10  }
0x32: {  	s10 =	sld [smem:$0x3FB0];
	_ =	sdelay $0x3  }
0x33: {  	p0 =	seq.s32 s10, $0x1;
	s10 =	sld [smem:$0x3FB2];
	_ =	sdelay $0x3  }
0x34: {  	[smem:$0x3FB2] =	sst s10  }
0x35: {  	s10 =	sld [smem:$0x3FB1];
	_ =	sdelay $0x3  }
0x36: {  	p1 =	seq.s32 s10, $0x1;
	s10 =	sld [smem:$0x3FB2];
	_ =	sdelay $0x3  }
0x37: {  	[smem:$0x3FB2] =	sst s10  }
0x38: {  	s10 =	sld [smem:$0x3FB3]  }
0x39: {  	_ = 	snop;
	(pc) =	sbr.ind lr, $3  }
0x3a: {  	_ = 	snop  }
0x3b: {  	_ = 	snop  }
0x3c: {  	p2 =	seq.s32 s10, $0x1;
	s10 =	sld [smem:$0x3FB2]  }
0x3d: {  	_ =	shalt  }
0x3e: {  	_ =	shalt  }
0x3f: {  	_ =	shalt  }
0x40: {  	_ =	shalt  }
0x41: {  	_ =	shalt  }
0x42: {  	_ =	shalt  }
0x43: {  	_ =	shalt  }
0x44: {  	_ =	shalt  }
0x45: {  	_ =	shalt  }
0x46: {  	_ =	shalt  }
0x47: {  	_ =	shalt  }
0x48: {  	_ =	shalt  }
0x49: {  	_ =	shalt  }
0x4a: {  	_ =	shalt  }
0x4b: {  	_ =	shalt  }
0x4c: {  	_ =	shalt  }
0x4d: {  	_ =	shalt  }
0x4e: {  	_ =	shalt  }
0x4f: {  	_ =	shalt  }
0x50: {  	_ =	shalt  }
0x51: {  	_ =	shalt  }
0x52: {  	_ =	shalt  }
0x53: {  	_ =	shalt  }
0x54: {  	_ =	shalt  }
0x55: {  	_ =	shalt  }
0x56: {  	_ =	shalt  }
0x57: {  	_ =	shalt  }
0x58: {  	_ =	shalt  }
0x59: {  	_ =	shalt  }
0x5a: {  	_ =	shalt  }
0x5b: {  	_ =	shalt  }
0x5c: {  	_ =	shalt  }
0x5d: {  	_ =	shalt  }
0x5e: {  	_ =	shalt  }
0x5f: {  	_ =	shalt  }
0x60: {  	_ =	shalt  }
0x61: {  	_ =	shalt  }
0x62: {  	_ =	shalt  }
0x63: {  	_ =	shalt  }
0x64: {  	_ =	shalt  }
0x65: {  	_ =	shalt  }
0x66: {  	_ =	shalt  }
0x67: {  	_ =	shalt  }
0x68: {  	_ =	shalt  }
0x69: {  	_ =	shalt  }
0x6a: {  	_ =	shalt  }
0x6b: {  	_ =	shalt  }
0x6c: {  	_ =	shalt  }
0x6d: {  	_ =	shalt  }
0x6e: {  	_ =	shalt  }
0x6f: {  	_ =	shalt  }
0x70: {  	_ =	shalt  }
0x71: {  	_ =	shalt  }
0x72: {  	_ =	shalt  }
0x73: {  	_ =	shalt  }
0x74: {  	_ =	shalt  }
0x75: {  	_ =	shalt  }
0x76: {  	_ =	shalt  }
0x77: {  	_ =	shalt  }
0x78: {  	_ =	shalt  }
0x79: {  	_ =	shalt  }
0x7a: {  	_ =	shalt  }
0x7b: {  	_ =	shalt  }
0x7c: {  	_ =	shalt  }
0x7d: {  	_ =	shalt  }
0x7e: {  	_ =	shalt  }
0x7f: {  	_ =	shalt  }
0x80: {  	_ =	shalt  }
0x81: {  	_ =	shalt  }
0x82: {  	_ =	shalt  }
0x83: {  	_ =	shalt  }
0x84: {  	_ =	shalt  }
0x85: {  	_ =	shalt  }
0x86: {  	_ =	shalt  }
0x87: {  	_ =	shalt  }
.Lfunc_end0:
.L_simem_size_0:
called_computation_lowered:
.L_overlay_start_0:
0x88: {  	s2 =	sld [smem:$0x3FD9]  }
0x89: {  	s3 =	sld [smem:$0x3FFE];
	_ =	sdelay $0x1  }
0x8a: {  	s1 =	srdreg.scid  }
0x8b: {  	s0 =	sand.u32 $0x1, s1  }
0x8c: {  	s17 =	sshll.u32 s0, $0xA;
	s2 =	sadd.s32 s3, s2  }
0x8d: {  	s2 =	sadd.s32 s2, s17  }
0x8e: {  	[smem:$0x3FBE] =	sst s2  }
0x8f: {  	_ = 	snop  }
0x90: {  	s2 =	sld [smem:$0x3FD0];
	(tm) =	ssettm $0x1  }
0x91: {  	s18 =	sld [smem:$0x3FFB];
	_ =	sdelay $0x3  }
0x92: {  	_ =	strace s18  }
0x93: {  	s3 =	sld [smem:$0x3FFC];
	_ =	sdelay $0x3  }
0x94: {  	_ =	strace s3  }
0x95: {  	s3 =	sld [smem:$0x3FFD];
	_ =	sdelay $0x3  }
0x96: {  	_ =	strace s3  }
0x97: {  	_ =	strace $0x8FFFFFFF  }
0x98: {  	s19 =	sld [smem:$0x3FDB];
	_ =	sdelay $0x1  }
0x99: {  	s4 =	simm.s32 $_scs_section_size  }
0x9a: {  	s5 =	simm.s32 $_size__tile_overlayer_lowered;
	s6 =	simm.s32 $_tile_overlayer_lowered  }
0x9b: {  	s22 =	simm.s32 $0x1BFF;
	s21 =	sshll.u32 s6, $0x1;
	s3 =	sadd.s32 s4, s19  }
0x9c: {  	s7 =	simm.s32 $0x0;
	s20 =	sshll.u32 s5, $0x1;
	s5 =	sadd.s32 s21, s3  }
0x9d: {  	[timem:s7], [sflag:s22] =	dma.local [hbm:s5], s20  }
0x9e: {  	_ =	swait.ge [sflag:s22], s20  }
0x9f: {  	s4 =	ssub.s32 $0x0, s20;
	[sflag:s22] =	ssyncset.done $0x0  }
0xa0: {  	[sflag:s22] =	ssyncadd.s32 s4;
	_ =	sdelay $0x1  }
0xa1: {  	s23 =	simm.s32 $0x1B8B  }
0xa2: {  	_ =	swait.ge [sflag:s23], $0x1  }
0xa3: {  	[sflag:s23] =	ssyncset.done $0x0  }
0xa4: {  	s25 =	simm.s32 $0x1B8E;
	s24 =	sld [smem:$0x3FFE];
	[sflag:s23] =	ssyncadd.s32 $0xFFFFFFFF  }
0xa5: {  	s26 =	simm.s32 $execute0_lowered;
	[smem:$0x3FD2] =	sst s25  }
0xa6: {  	s5 =	sshll.u32 s26, $0x1;
	_ =	strace $0x80000046;
	[dreg:$0x1] =	wrdreg $0xFFFFFFFF  }
0xa7: {  	s28 =	simm.s32 $_size_execute0_lowered;
	s3 =	sadd.s32 s3, s5;
	[dreg:$0x0] =	wrdreg $0x0  }
0xa8: {  	s5 =	sshll.u32 s28, $0x1;
	[dreg:$0x2] =	wrdreg s3  }
0xa9: {  	[dreg:$0x3] =	wrdreg s5  }
0xaa: {  	[dreg:$0x4] =	wrdreg $0xC0  }
0xab: {  	_ =	task [dreg:s7], $0x5FFFF  }
0xac: {  	[dreg:$0x1] =	wrdreg $0xFFFFFFFF  }
0xad: {  	[dreg:$0x0] =	wrdreg $0x60  }
0xae: {  	[dreg:$0x2] =	wrdreg s24  }
0xaf: {  	[dreg:$0x3] =	wrdreg s2  }
0xb0: {  	[dreg:$0x4] =	wrdreg $0x9  }
0xb1: {  	_ =	task.clear_ibuf [dreg:s7], $0x5FFFF;
	_ =	strace $0x90000046  }
0xb2: {  	s29 =	simm.s32 $0x9;
	_ =	strace $0x80000048  }
0xb3: {  	_ =	swait.ge [sflag:s29], $0x1  }
0xb4: {  	[sflag:s29] =	ssyncadd.s32 $0xFFFFFFFF  }
0xb5: {  	_ =	strace $0x90000048  }
0xb6: {  	_ =	sfence  }
0xb7: {  	s30 =	sld [smem:$0x0];
	_ =	sdelay $0x2  }
0xb8: {  	s31 =	sshll.u32 s1, $0xD;
	s1 =	sshrl.u32 s1, $0x2  }
0xb9: {  	s3 =	sand.u32 $0x4000, s31;
	s1 =	sadd.s32 s1, s30  }
0xba: {  	s0 =	sor.u32 s3, s0;
	s1 =	sshll.u32 s1, $0x11  }
0xbb: {  	s0 =	sor.u32 s1, s0  }
0xbc: {  	s0 =	sadd.s32 $0x8F2B, s0  }
0xbd: {  	[sflag:s0] =	ssyncadd.remote.s32 $0x1  }
0xbe: {  	_ =	sfence.sel $0xFFFF  }
0xbf: {  	[dreg:$0x0] =	wrdreg $0xFFFFFFFF;
	(pc) =	sbr.abs _section_cstart, $3  }
0xc0: {  	[dreg:$0x1] =	wrdreg $0xFFFFFFFF  }
0xc1: {  	_ =	task.clear_ibuf [dreg:s7], $0x2FFFF;
	_ =	strace $0x9FFFFFFF  }
0xc2: {  	(tm) =	ssettm $0x7FFFFFFF  }
0xc3: {  	_ =	shalt  }
tec
execute0_lowered:
.L_overlay_start_1:
0x0: {  	(tag) =	ssettag $0x1  }
0x1: {  	s0 =	rddreg [dreg:$0x0]  }
0x2: {  	s1 =	simm.s32 $0x0;
	s30 =	srdreg.scid;
	s10 =	stileid.u32  }
0x3: {  	s13 =	simm.s32 $0x4;
	s12 =	simm.s32 $0xE980;
	s14 =	simm.s32 $0x10180  }
0x4: {  	s15 =	simm.s32 $0x10980;
	s16 =	simm.s32 $0x11180;
	s17 =	simm.s32 $0x11980  }
0x5: {  	s18 =	simm.s32 $0x1;
	s19 =	simm.s32 $0x2;
	s20 =	simm.s32 $0x3  }
0x6: {  	s21 =	simm.s32 $0x12180;
	[smem:$0x7FF] =	sst s1;
	s3 =	sadd.s32 $0x1800, s0  }
0x7: {  	s23 =	simm.s32 $0x0;
	s4 =	sadd.s32 $0x143800, s0;
	s5 =	sadd.s32 $0x142800, s0  }
0x8: {  	s7 =	sadd.s32 $0x141800, s0;
	s8 =	sadd.s32 $0x144800, s0;
	s1 =	sand.u32 $0x1, s30  }
0x9: {  	s9 =	sadd.s32 $0x1C4800, s0;
	s11 =	sshll.u32 s10, $0xB;
	s2 =	ssub.s32 $0x2, s1  }
0xa: {  	s10 =	sadd.s32 $0x244800, s0;
	s1 =	sshll.u32 s1, $0xA;
	s6 =	sshrl.u32 s2, $0x1  }
0xb: {  	v2 =	vlaneseq.u32;
	_ =	strace $0x80000047;
	s11 =	sor.u32 s1, s11;
	s31 =	ssub.s32 s2, s6  }
0xc: {  	vm0 =	vmmov $0xffff;
	v1 =	vshrl.u32 v2, $0x3;
	s1 =	simm.s32 $0xF180;
	s6 =	simm.s32 $0xE180;
	s0 =	smax.u32 s31, $0x1  }
0xd: {  	v0 =	vand.u32 $0x7, v2;
	v2 =	vor.u32 $0x8, v2;
	v1 =	vmul.u32 $0x8, v1;
	s2 =	simm.s32 $0xF980;
	[dreg:$0x3] =	wrdreg s0;
	s0 =	simm.s32 $0xD980  }
.LBB2_1:
0xe: {  	[dreg:$0x4] =	wrdreg s23;
	s22 =	simm.s32 $0x0  }
.LBB2_2:
0xf: {  	s23 =	sshll.u32 s22, $0x6  }
0x10: {  	s23 =	sadd.s32 s11, s23  }
0x11: {  	s25 =	sshrl.u32 s23, $0x3  }
0x12: {  	s24 =	simm.s32 $0x0;
	s26 =	sadd.s32 s4, s25  }
0x13: {  	[tilespmem:s24], [sflag:$0x4] =	stream.linear.gather [hbm4b:s26+s24], $0x40, $0x38;
	[tilespmem:$0x16180] =	vst v63  }
0x14: {  	_ =	swait.ge [sflag:s13], $0x40  }
0x15: {  	[sflag:s13] =	ssyncset.done $0x0  }
0x16: {  	s28 =	simm.s32 $0x80;
	s30 =	sadd.s32 s5, s25;
	[sflag:s13] =	ssyncadd.s32 $0xFFFFFFC0  }
0x17: {  	[tilespmem:s28], [sflag:$0x4] =	stream.linear.gather [hbm4b:s30+s24], $0x40, $0x38;
	[tilespmem:$0x16180] =	vst v63  }
0x18: {  	_ =	swait.ge [sflag:s13], $0x40  }
0x19: {  	[sflag:s13] =	ssyncset.done $0x0  }
0x1a: {  	s31 =	simm.s32 $0x100;
	s25 =	sadd.s32 s7, s25;
	[sflag:s13] =	ssyncadd.s32 $0xFFFFFFC0  }
0x1b: {  	[tilespmem:s31], [sflag:$0x4] =	stream.linear.gather [hbm4b:s25+s24], $0x40, $0x38;
	[tilespmem:$0x16180] =	vst v63  }
0x1c: {  	_ =	swait.ge [sflag:s13], $0x40  }
0x1d: {  	[sflag:s13] =	ssyncset.done $0x0  }
0x1e: {  	[sflag:s13] =	ssyncadd.s32 $0xFFFFFFC0  }
0x1f: {  	s28 =	sshll.u32 s23, $0x4;
	s30 =	rddreg [dreg:$0x1]  }
0x20: {  	s25 =	simm.s32 $0x180;
	s31 =	sadd.s32 s30, s28  }
0x21: {  	[tilespmem:s25], [sflag:$0x4] =	stream.linear.gather [hbm4b:s31+s24], $0x2000, $0x38;
	[tilespmem:$0x16180] =	vst v63  }
0x22: {  	_ =	swait.ge [sflag:s13], $0x2000  }
0x23: {  	[sflag:s13] =	ssyncset.done $0x0  }
0x24: {  	s26 =	simm.s32 $0x2180;
	s29 =	sadd.s32 s8, s28;
	[sflag:s13] =	ssyncadd.s32 $0xFFFFE000  }
0x25: {  	[tilespmem:s26], [sflag:$0x4] =	stream.linear.gather [hbm4b:s29+s24], $0x2000, $0x38;
	[tilespmem:$0x16180] =	vst v63  }
0x26: {  	_ =	swait.ge [sflag:s13], $0x2000  }
0x27: {  	[sflag:s13] =	ssyncset.done $0x0  }
0x28: {  	s29 =	sadd.s32 s9, s28;
	s28 =	simm.s32 $0x4180;
	[sflag:s13] =	ssyncadd.s32 $0xFFFFE000  }
0x29: {  	[tilespmem:s28], [sflag:$0x4] =	stream.linear.gather [hbm4b:s29+s24], $0x2000, $0x38;
	[tilespmem:$0x16180] =	vst v63  }
0x2a: {  	_ =	swait.ge [sflag:s13], $0x2000  }
0x2b: {  	[sflag:s13] =	ssyncset.done $0x0  }
0x2c: {  	[sflag:s13] =	ssyncadd.s32 $0xFFFFE000  }
0x2d: {  	v3 =	vld [tilespmem:$0x0];
	_ =	sdelay $0x4  }
0x2e: {  	v4 =	vshll.u32 v3, $0x1  }
0x2f: {  	v3 =	vand.u32 $0x7, v3;
	v4 =	vand.u32 $0xFFFFFFF0, v4  }
0x30: {  	v3 =	vor.u32 v3, v4  }
0x31: {  	v4 =	vperm.xlane v3, v0;
	_ =	sdelay $0x1  }
0x32: {  	v3 =	vperm.xlane v3, v2;
	v4 =	vadd.s32 v1, v4;
	_ =	sdelay $0x1  }
0x33: {  	v3 =	vadd.s32 v1, v3;
	_ =	sdelay $0x1  }
0x34: {  	s29 =	simm.s32 $0x6180  }
0x35: {  	[tilespmem:s29], [sflag:$0x1] =	stream.indirect_vreg.gather [hbm4b:s3+s24], $0x80, v4, vm0, $0xb8;
	[tilespmem:$0x16180] =	vst v63  }
0x36: {  	s29 =	simm.s32 $0x6980  }
0x37: {  	[tilespmem:s29], [sflag:$0x1] =	stream.indirect_vreg.gather [hbm4b:s3+s24], $0x80, v3, vm0, $0xb8;
	[tilespmem:$0x16180] =	vst v63  }
0x38: {  	v3 =	vld [tilespmem:$0x10];
	_ =	sdelay $0x4  }
0x39: {  	v53 =	vshll.u32 v3, $0x1  }
0x3a: {  	v3 =	vand.u32 $0x7, v3;
	v4 =	vand.u32 $0xFFFFFFF0, v53  }
0x3b: {  	v3 =	vor.u32 v3, v4  }
0x3c: {  	v4 =	vperm.xlane v3, v0;
	_ =	sdelay $0x1  }
0x3d: {  	v3 =	vperm.xlane v3, v2;
	v4 =	vadd.s32 v1, v4;
	_ =	sdelay $0x1  }
0x3e: {  	v3 =	vadd.s32 v1, v3;
	_ =	sdelay $0x1  }
0x3f: {  	s29 =	simm.s32 $0x7180  }
0x40: {  	[tilespmem:s29], [sflag:$0x1] =	stream.indirect_vreg.gather [hbm4b:s3+s24], $0x80, v4, vm0, $0xb8;
	[tilespmem:$0x16180] =	vst v63  }
0x41: {  	s29 =	simm.s32 $0x7980  }
0x42: {  	[tilespmem:s29], [sflag:$0x1] =	stream.indirect_vreg.gather [hbm4b:s3+s24], $0x80, v3, vm0, $0xb8;
	[tilespmem:$0x16180] =	vst v63  }
0x43: {  	v3 =	vld [tilespmem:$0x20];
	_ =	sdelay $0x4  }
0x44: {  	v54 =	vshll.u32 v3, $0x1  }
0x45: {  	v3 =	vand.u32 $0x7, v3;
	v4 =	vand.u32 $0xFFFFFFF0, v54  }
0x46: {  	v3 =	vor.u32 v3, v4  }
0x47: {  	v4 =	vperm.xlane v3, v0;
	_ =	sdelay $0x1  }
0x48: {  	v3 =	vperm.xlane v3, v2;
	v4 =	vadd.s32 v1, v4;
	_ =	sdelay $0x1  }
0x49: {  	v3 =	vadd.s32 v1, v3;
	_ =	sdelay $0x1  }
0x4a: {  	s29 =	simm.s32 $0x8180  }
0x4b: {  	[tilespmem:s29], [sflag:$0x1] =	stream.indirect_vreg.gather [hbm4b:s3+s24], $0x80, v4, vm0, $0xb8;
	[tilespmem:$0x16180] =	vst v63  }
0x4c: {  	s29 =	simm.s32 $0x8980  }
0x4d: {  	[tilespmem:s29], [sflag:$0x1] =	stream.indirect_vreg.gather [hbm4b:s3+s24], $0x80, v3, vm0, $0xb8;
	[tilespmem:$0x16180] =	vst v63  }
0x4e: {  	v3 =	vld [tilespmem:$0x30];
	_ =	sdelay $0x4  }
0x4f: {  	v55 =	vshll.u32 v3, $0x1  }
0x50: {  	v3 =	vand.u32 $0x7, v3;
	v4 =	vand.u32 $0xFFFFFFF0, v55  }
0x51: {  	v3 =	vor.u32 v3, v4  }
0x52: {  	v4 =	vperm.xlane v3, v0;
	_ =	sdelay $0x1  }
0x53: {  	v3 =	vperm.xlane v3, v2;
	v4 =	vadd.s32 v1, v4;
	_ =	sdelay $0x1  }
0x54: {  	v3 =	vadd.s32 v1, v3;
	_ =	sdelay $0x1  }
0x55: {  	s29 =	simm.s32 $0x9180  }
0x56: {  	[tilespmem:s29], [sflag:$0x1] =	stream.indirect_vreg.gather [hbm4b:s3+s24], $0x80, v4, vm0, $0xb8;
	[tilespmem:$0x16180] =	vst v63  }
0x57: {  	s29 =	simm.s32 $0x9980  }
0x58: {  	[tilespmem:s29], [sflag:$0x1] =	stream.indirect_vreg.gather [hbm4b:s3+s24], $0x80, v3, vm0, $0xb8;
	[tilespmem:$0x16180] =	vst v63  }
0x59: {  	v3 =	vld [tilespmem:$0x80];
	_ =	sdelay $0x4  }
0x5a: {  	v56 =	vshll.u32 v3, $0x1  }
0x5b: {  	v3 =	vand.u32 $0x7, v3;
	v4 =	vand.u32 $0xFFFFFFF0, v56  }
0x5c: {  	v3 =	vor.u32 v3, v4  }
0x5d: {  	v4 =	vperm.xlane v3, v0;
	_ =	sdelay $0x1  }
0x5e: {  	v3 =	vperm.xlane v3, v2;
	v4 =	vadd.s32 v1, v4;
	_ =	sdelay $0x1  }
0x5f: {  	v3 =	vadd.s32 v1, v3;
	_ =	sdelay $0x1  }
0x60: {  	s29 =	simm.s32 $0xA180  }
0x61: {  	[tilespmem:s29], [sflag:$0x2] =	stream.indirect_vreg.gather [hbm4b:s3+s24], $0x80, v4, vm0, $0xb8;
	[tilespmem:$0x16180] =	vst v63  }
0x62: {  	s29 =	simm.s32 $0xA980  }
0x63: {  	[tilespmem:s29], [sflag:$0x2] =	stream.indirect_vreg.gather [hbm4b:s3+s24], $0x80, v3, vm0, $0xb8;
	[tilespmem:$0x16180] =	vst v63  }
0x64: {  	v3 =	vld [tilespmem:$0x90];
	_ =	sdelay $0x4  }
0x65: {  	v57 =	vshll.u32 v3, $0x1  }
0x66: {  	v3 =	vand.u32 $0x7, v3;
	v4 =	vand.u32 $0xFFFFFFF0, v57  }
0x67: {  	v3 =	vor.u32 v3, v4  }
0x68: {  	v4 =	vperm.xlane v3, v0;
	_ =	sdelay $0x1  }
0x69: {  	v3 =	vperm.xlane v3, v2;
	v4 =	vadd.s32 v1, v4;
	_ =	sdelay $0x1  }
0x6a: {  	v3 =	vadd.s32 v1, v3;
	_ =	sdelay $0x1  }
0x6b: {  	s29 =	simm.s32 $0xB180  }
0x6c: {  	[tilespmem:s29], [sflag:$0x2] =	stream.indirect_vreg.gather [hbm4b:s3+s24], $0x80, v4, vm0, $0xb8;
	[tilespmem:$0x16180] =	vst v63  }
0x6d: {  	s29 =	simm.s32 $0xB980  }
0x6e: {  	[tilespmem:s29], [sflag:$0x2] =	stream.indirect_vreg.gather [hbm4b:s3+s24], $0x80, v3, vm0, $0xb8;
	[tilespmem:$0x16180] =	vst v63  }
0x6f: {  	v3 =	vld [tilespmem:$0xA0];
	_ =	sdelay $0x4  }
0x70: {  	v58 =	vshll.u32 v3, $0x1  }
0x71: {  	v3 =	vand.u32 $0x7, v3;
	v4 =	vand.u32 $0xFFFFFFF0, v58  }
0x72: {  	v3 =	vor.u32 v3, v4  }
0x73: {  	v4 =	vperm.xlane v3, v0;
	_ =	sdelay $0x1  }
0x74: {  	v3 =	vperm.xlane v3, v2;
	v4 =	vadd.s32 v1, v4;
	_ =	sdelay $0x1  }
0x75: {  	v3 =	vadd.s32 v1, v3;
	_ =	sdelay $0x1  }
0x76: {  	s29 =	simm.s32 $0xC180  }
0x77: {  	[tilespmem:s29], [sflag:$0x2] =	stream.indirect_vreg.gather [hbm4b:s3+s24], $0x80, v4, vm0, $0xb8;
	[tilespmem:$0x16180] =	vst v63  }
0x78: {  	s29 =	simm.s32 $0xC980  }
0x79: {  	[tilespmem:s29], [sflag:$0x2] =	stream.indirect_vreg.gather [hbm4b:s3+s24], $0x80, v3, vm0, $0xb8;
	[tilespmem:$0x16180] =	vst v63  }
0x7a: {  	v3 =	vld [tilespmem:$0xB0];
	_ =	sdelay $0x4  }
0x7b: {  	v59 =	vshll.u32 v3, $0x1  }
0x7c: {  	v3 =	vand.u32 $0x7, v3;
	v4 =	vand.u32 $0xFFFFFFF0, v59  }
0x7d: {  	v3 =	vor.u32 v3, v4  }
0x7e: {  	v4 =	vperm.xlane v3, v0;
	_ =	sdelay $0x1  }
0x7f: {  	v3 =	vperm.xlane v3, v2;
	v4 =	vadd.s32 v1, v4;
	_ =	sdelay $0x1  }
0x80: {  	v3 =	vadd.s32 v1, v3;
	_ =	sdelay $0x1  }
0x81: {  	s29 =	simm.s32 $0xD180  }
0x82: {  	[tilespmem:s29], [sflag:$0x2] =	stream.indirect_vreg.gather [hbm4b:s3+s24], $0x80, v4, vm0, $0xb8;
	[tilespmem:$0x16180] =	vst v63  }
0x83: {  	_ = 	snop  }
0x84: {  	[tilespmem:s0], [sflag:$0x2] =	stream.indirect_vreg.gather [hbm4b:s3+s24], $0x80, v3, vm0, $0xb8;
	[tilespmem:$0x16180] =	vst v63  }
0x85: {  	v3 =	vld [tilespmem:$0x100];
	_ =	sdelay $0x4  }
0x86: {  	v60 =	vshll.u32 v3, $0x1  }
0x87: {  	v3 =	vand.u32 $0x7, v3;
	v4 =	vand.u32 $0xFFFFFFF0, v60  }
0x88: {  	v3 =	vor.u32 v3, v4  }
0x89: {  	v4 =	vperm.xlane v3, v0;
	_ =	sdelay $0x1  }
0x8a: {  	v3 =	vperm.xlane v3, v2;
	v4 =	vadd.s32 v1, v4;
	_ =	sdelay $0x1  }
0x8b: {  	v3 =	vadd.s32 v1, v3;
	_ =	sdelay $0x2  }
0x8c: {  	[tilespmem:s6], [sflag:$0x3] =	stream.indirect_vreg.gather [hbm4b:s3+s24], $0x80, v4, vm0, $0xb8;
	[tilespmem:$0x16180] =	vst v63  }
0x8d: {  	_ = 	snop  }
0x8e: {  	[tilespmem:s12], [sflag:$0x3] =	stream.indirect_vreg.gather [hbm4b:s3+s24], $0x80, v3, vm0, $0xb8;
	[tilespmem:$0x16180] =	vst v63  }
0x8f: {  	v3 =	vld [tilespmem:$0x110];
	_ =	sdelay $0x4  }
0x90: {  	v61 =	vshll.u32 v3, $0x1  }
0x91: {  	v3 =	vand.u32 $0x7, v3;
	v4 =	vand.u32 $0xFFFFFFF0, v61  }
0x92: {  	v3 =	vor.u32 v3, v4  }
0x93: {  	v4 =	vperm.xlane v3, v0;
	_ =	sdelay $0x1  }
0x94: {  	v3 =	vperm.xlane v3, v2;
	v4 =	vadd.s32 v1, v4;
	_ =	sdelay $0x1  }
0x95: {  	v3 =	vadd.s32 v1, v3;
	_ =	sdelay $0x2  }
0x96: {  	[tilespmem:s1], [sflag:$0x3] =	stream.indirect_vreg.gather [hbm4b:s3+s24], $0x80, v4, vm0, $0xb8;
	[tilespmem:$0x16180] =	vst v63  }
0x97: {  	_ = 	snop  }
0x98: {  	[tilespmem:s2], [sflag:$0x3] =	stream.indirect_vreg.gather [hbm4b:s3+s24], $0x80, v3, vm0, $0xb8;
	[tilespmem:$0x16180] =	vst v63  }
0x99: {  	v3 =	vld [tilespmem:$0x120];
	_ =	sdelay $0x4  }
0x9a: {  	v62 =	vshll.u32 v3, $0x1  }
0x9b: {  	v3 =	vand.u32 $0x7, v3;
	v4 =	vand.u32 $0xFFFFFFF0, v62  }
0x9c: {  	v3 =	vor.u32 v3, v4  }
0x9d: {  	v4 =	vperm.xlane v3, v0;
	_ =	sdelay $0x1  }
0x9e: {  	v3 =	vperm.xlane v3, v2;
	v4 =	vadd.s32 v1, v4;
	_ =	sdelay $0x1  }
0x9f: {  	v3 =	vadd.s32 v1, v3;
	_ =	sdelay $0x2  }
0xa0: {  	[tilespmem:s14], [sflag:$0x3] =	stream.indirect_vreg.gather [hbm4b:s3+s24], $0x80, v4, vm0, $0xb8;
	[tilespmem:$0x16180] =	vst v63  }
0xa1: {  	_ = 	snop  }
0xa2: {  	[tilespmem:s15], [sflag:$0x3] =	stream.indirect_vreg.gather [hbm4b:s3+s24], $0x80, v3, vm0, $0xb8;
	[tilespmem:$0x16180] =	vst v63  }
0xa3: {  	v3 =	vld [tilespmem:$0x130];
	_ =	sdelay $0x4  }
0xa4: {  	v63 =	vshll.u32 v3, $0x1  }
0xa5: {  	v3 =	vand.u32 $0x7, v3;
	v4 =	vand.u32 $0xFFFFFFF0, v63  }
0xa6: {  	v3 =	vor.u32 v3, v4  }
0xa7: {  	v4 =	vperm.xlane v3, v0;
	_ =	sdelay $0x1  }
0xa8: {  	v3 =	vperm.xlane v3, v2;
	v4 =	vadd.s32 v1, v4;
	_ =	sdelay $0x1  }
0xa9: {  	v3 =	vadd.s32 v1, v3;
	_ =	sdelay $0x2  }
0xaa: {  	[tilespmem:s16], [sflag:$0x3] =	stream.indirect_vreg.gather [hbm4b:s3+s24], $0x80, v4, vm0, $0xb8;
	[tilespmem:$0x16180] =	vst v63  }
0xab: {  	_ = 	snop  }
0xac: {  	[tilespmem:s17], [sflag:$0x3] =	stream.indirect_vreg.gather [hbm4b:s3+s24], $0x80, v3, vm0, $0xb8;
	[tilespmem:$0x16180] =	vst v63  }
0xad: {  	_ =	swait.ge [sflag:s18], $0x4000  }
0xae: {  	[sflag:s18] =	ssyncset.done $0x0  }
0xaf: {  	[sflag:s18] =	ssyncadd.s32 $0xFFFFC000  }
0xb0: {  	_ =	swait.ge [sflag:s19], $0x4000  }
0xb1: {  	[sflag:s19] =	ssyncset.done $0x0  }
0xb2: {  	[sflag:s19] =	ssyncadd.s32 $0xFFFFC000  }
0xb3: {  	_ =	swait.ge [sflag:s20], $0x4000  }
0xb4: {  	[sflag:s20] =	ssyncset.done $0x0  }
0xb5: {  	s29 =	simm.s32 $0x0;
	[sflag:s20] =	ssyncadd.s32 $0xFFFFC000  }
.LBB2_3:
0xb6: {  	v5 =	vld [tilespmem:s25+$0x0]  }
0xb7: {  	v4 =	vld [tilespmem:s26+$0x0];
	s30 =	sand.u32 $0x3800, s24;
	s31 =	sand.u32 $0x380, s29  }
0xb8: {  	v3 =	vld [tilespmem:s28+$0x0];
	s30 =	sor.u32 s31, s30  }
0xb9: {  	v6 =	vld [tilespmem:s30+$0x6180]  }
0xba: {  	v7 =	vld [tilespmem:s30+$0xA180]  }
0xbb: {  	v8 =	vld [tilespmem:s30+$0xE180]  }
0xbc: {  	v9 =	vld [tilespmem:s30+$0x6190]  }
0xbd: {  	v10 =	vld [tilespmem:s30+$0xA190]  }
0xbe: {  	v11 =	vld [tilespmem:s30+$0xE190]  }
0xbf: {  	v12 =	vld [tilespmem:s30+$0x61A0]  }
0xc0: {  	v13 =	vld [tilespmem:s30+$0xA1A0]  }
0xc1: {  	v14 =	vld [tilespmem:s30+$0xE1A0]  }
0xc2: {  	v15 =	vld [tilespmem:s30+$0x61B0]  }
0xc3: {  	v16 =	vld [tilespmem:s30+$0xA1B0]  }
0xc4: {  	v17 =	vld [tilespmem:s30+$0xE1B0]  }
0xc5: {  	v18 =	vld [tilespmem:s30+$0x61C0]  }
0xc6: {  	v19 =	vld [tilespmem:s30+$0xA1C0]  }
0xc7: {  	v20 =	vld [tilespmem:s30+$0xE1C0]  }
0xc8: {  	v21 =	vld [tilespmem:s30+$0x61D0]  }
0xc9: {  	v22 =	vld [tilespmem:s30+$0xA1D0]  }
0xca: {  	v23 =	vld [tilespmem:s30+$0xE1D0]  }
0xcb: {  	v24 =	vld [tilespmem:s30+$0x61E0]  }
0xcc: {  	v25 =	vld [tilespmem:s30+$0xA1E0]  }
0xcd: {  	v26 =	vld [tilespmem:s30+$0xE1E0]  }
0xce: {  	v27 =	vld [tilespmem:s30+$0x61F0]  }
0xcf: {  	v28 =	vld [tilespmem:s30+$0xA1F0]  }
0xd0: {  	v29 =	vld [tilespmem:s30+$0xE1F0];
	v6 =	vmul.f32 v6, v5;
	v7 =	vmul.f32 v7, v4  }
0xd1: {  	v30 =	vld [tilespmem:s30+$0x6580];
	v8 =	vmul.f32 v8, v3;
	v9 =	vmul.f32 v9, v5  }
0xd2: {  	v31 =	vld [tilespmem:s30+$0xA580];
	v10 =	vmul.f32 v10, v4;
	v11 =	vmul.f32 v11, v3  }
0xd3: {  	v32 =	vld [tilespmem:s30+$0xE580];
	v61 =	vmul.f32 v12, v5;
	v62 =	vmul.f32 v13, v4  }
0xd4: {  	v33 =	vld [tilespmem:s30+$0x6590];
	v63 =	vmul.f32 v15, v5;
	v35 =	vmul.f32 v16, v4  }
0xd5: {  	v34 =	vld [tilespmem:s30+$0xA590];
	v36 =	vmul.f32 v14, v3;
	v37 =	vmul.f32 v17, v3  }
0xd6: {  	v40 =	vld [tilespmem:s30+$0x65B0];
	v38 =	vmul.f32 v18, v5;
	v39 =	vmul.f32 v19, v4  }
0xd7: {  	v43 =	vld [tilespmem:s30+$0xA5B0];
	v41 =	vmul.f32 v21, v5;
	v42 =	vmul.f32 v22, v4  }
0xd8: {  	v46 =	vld [tilespmem:s30+$0xE5B0];
	v44 =	vmul.f32 v20, v3;
	v45 =	vmul.f32 v23, v3  }
0xd9: {  	v49 =	vld [tilespmem:s30+$0x65C0];
	v47 =	vmul.f32 v24, v5;
	v48 =	vmul.f32 v25, v4  }
0xda: {  	v52 =	vld [tilespmem:s30+$0xA5C0];
	v50 =	vmul.f32 v26, v3;
	v51 =	vmul.f32 v27, v5  }
0xdb: {  	v57 =	vld [tilespmem:s30+$0x65D0];
	v53 =	vmul.f32 v28, v4;
	v54 =	vmul.f32 v29, v3  }
0xdc: {  	v60 =	vld [tilespmem:s30+$0xA5D0];
	v55 =	vmul.f32 v30, v5;
	v56 =	vmul.f32 v31, v4;
	v6 =	vadd.f32 v7, v6  }
0xdd: {  	v13 =	vld [tilespmem:s30+$0xE590];
	v58 =	vmul.f32 v33, v5;
	v9 =	vadd.f32 v10, v9;
	v7 =	vadd.f32 v62, v61  }
0xde: {  	v16 =	vld [tilespmem:s30+$0x65A0];
	v59 =	vmul.f32 v34, v4;
	v10 =	vadd.f32 v35, v63;
	v18 =	vadd.f32 v48, v47  }
0xdf: {  	v12 =	vld [tilespmem:s30+$0xA5A0];
	v20 =	vadd.f32 v53, v51;
	v62 =	vadd.f32 v56, v55;
	v63 =	vmul.f32 v32, v3  }
0xe0: {  	v14 =	vld [tilespmem:s30+$0xE5A0];
	v33 =	vadd.f32 v59, v58;
	v47 =	vmul.f32 v49, v5;
	v6 =	vadd.f32 v8, v6  }
0xe1: {  	v27 =	vld [tilespmem:s30+$0xE5C0];
	v48 =	vmul.f32 v52, v4;
	v9 =	vadd.f32 v11, v9;
	v7 =	vadd.f32 v36, v7  }
0xe2: {  	v34 =	vld [tilespmem:s30+$0x65E0];
	v51 =	vmul.f32 v57, v5;
	v10 =	vadd.f32 v37, v10;
	v8 =	vadd.f32 v39, v38;
	[tilespmem:s30+$0x12180] =	vst v6  }
0xe3: {  	v28 =	vld [tilespmem:s30+$0xE5D0];
	v55 =	vmul.f32 v60, v4;
	v11 =	vadd.f32 v42, v41;
	v61 =	vadd.f32 v50, v18;
	[tilespmem:s30+$0x12190] =	vst v9  }
0xe4: {  	v32 =	vadd.f32 v54, v20;
	v35 =	vadd.f32 v63, v62;
	v37 =	vld [tilespmem:s30+$0x65F0];
	v39 =	vmul.f32 v40, v5;
	[tilespmem:s30+$0x121A0] =	vst v7  }
0xe5: {  	v40 =	vmul.f32 v43, v4;
	v41 =	vld [tilespmem:s30+$0xA5E0];
	v56 =	vadd.f32 v48, v47;
	v13 =	vmul.f32 v13, v3;
	[tilespmem:s30+$0x121B0] =	vst v10  }
0xe6: {  	v36 =	vmul.f32 v16, v5;
	v12 =	vmul.f32 v12, v4;
	v11 =	vadd.f32 v45, v11;
	v45 =	vld [tilespmem:s30+$0xA5F0];
	[tilespmem:s30+$0x121E0] =	vst v61  }
0xe7: {  	v49 =	vld [tilespmem:s30+$0xE5E0];
	v43 =	vmul.f32 v14, v3;
	v52 =	vmul.f32 v34, v5;
	v8 =	vadd.f32 v44, v8;
	[tilespmem:s30+$0x121F0] =	vst v32  }
0xe8: {  	v53 =	vld [tilespmem:s30+$0xE5F0];
	v57 =	vmul.f32 v27, v3;
	v44 =	vmul.f32 v46, v3;
	v46 =	vadd.f32 v40, v39;
	[tilespmem:s30+$0x12580] =	vst v35  }
0xe9: {  	v59 =	vmul.f32 v28, v3;
	v38 =	vadd.f32 v13, v33;
	v42 =	vadd.f32 v12, v36;
	[tilespmem:s30+$0x121C0] =	vst v8  }
0xea: {  	v60 =	vadd.f32 v57, v56;
	[tilespmem:s30+$0x121D0] =	vst v11;
	v54 =	vadd.f32 v44, v46;
	v58 =	vmul.f32 v41, v4  }
0xeb: {  	v8 =	vadd.f32 v55, v51;
	v5 =	vmul.f32 v37, v5;
	[tilespmem:s30+$0x12590] =	vst v38;
	v4 =	vmul.f32 v45, v4  }
0xec: {  	p0 =	sne.s32 s29, $0x1F80;
	v62 =	vmul.f32 v49, v3;
	v50 =	vadd.f32 v43, v42;
	[tilespmem:s30+$0x125C0] =	vst v60;
	v61 =	vadd.f32 v58, v52  }
.Ltmp0:
0xed: {  	v3 =	vmul.f32 v53, v3;
	[tilespmem:s30+$0x125B0] =	vst v54;
	v8 =	vadd.f32 v59, v8;
	v4 =	vadd.f32 v4, v5;
	(pc) =	sbr.rel @p0 .LBB2_3-.Ltmp0, $4  }
0xee: {  	[tilespmem:s30+$0x125A0] =	vst v50;
	v63 =	vadd.f32 v62, v61  }
0xef: {  	[tilespmem:s30+$0x125D0] =	vst v8;
	v3 =	vadd.f32 v3, v4  }
0xf0: {  	s24 =	sadd.s32 $0x100, s24;
	s25 =	sadd.s32 $0x80, s25;
	[tilespmem:s30+$0x125E0] =	vst v63  }
0xf1: {  	s26 =	sadd.s32 $0x80, s26;
	s28 =	sadd.s32 $0x80, s28;
	s29 =	sadd.s32 $0x80, s29;
	[tilespmem:s30+$0x125F0] =	vst v3  }
0xf2: {  	s22 =	sadd.s32 $0x1, s22  }
0xf3: {  	s23 =	sshll.u32 s23, $0x5;
	p0 =	sne.s32 s22, $0x10  }
.Ltmp1:
0xf4: {  	s24 =	simm.s32 $0x0;
	s23 =	sadd.s32 s10, s23;
	(pc) =	sbr.rel @p0 .LBB2_2-.Ltmp1, $4  }
0xf5: {  	[hbm4b:s23+s24] =	stream.linear.scatter [tilespmem:s21], [sflag:$0x4], $0x4000, $0x38;
	[tilespmem:$0x16180] =	vst v63  }
0xf6: {  	_ =	swait.ge [sflag:s13], $0x4000  }
0xf7: {  	[sflag:s13] =	ssyncset.done $0x0  }
0xf8: {  	[sflag:s13] =	ssyncadd.s32 $0xFFFFC000  }
0xf9: {  	s23 =	rddreg [dreg:$0x4]  }
0xfa: {  	s22 =	rddreg [dreg:$0x3];
	s23 =	sadd.s32 $0x1, s23  }
0xfb: {  	p0 =	sne.s32 s23, s22  }
.Ltmp2:
0xfc: {  	_ = 	snop;
	(pc) =	sbr.rel @p0 .LBB2_1-.Ltmp2, $1  }
0xfd: {  	_ =	sdelay $0x3  }
0xfe: {  	_ =	sfence.sel $0x180000  }
0xff: {  	[bflag:$0x0] =	sbarrier.arrive $0xFFFF  }
0x100: {  	_ =	strace $0x90000047  }
0x101: {  	s0 =	stileid.u32;
	[bflag:$0x2] =	sbarrier.arrive $0xFFFF  }
0x102: {  	p0 =	sne.s32 s0, $0x0;
	s0 =	rddreg [dreg:$0x2]  }
0x103: {  	s0 =	sadd.s32 @!p0 $0x100000, s0  }
0x104: {  	[sflag:s0] =	ssyncadd.tile.s32 @!p0 $0x1;
	_ =	shalt  }
.Lfunc_end2:
_tile_overlayer_lowered:
.L_overlay_start_2:
0x105: {  	(tag) =	ssettag $0x2  }
0x106: {  	s0 =	rddreg [dreg:$0x0];
	s2 =	stileid.u32  }
0x107: {  	s1 =	rddreg [dreg:$0x1];
	p0 =	sne.s32 s2, $0x0  }
0x108: {  	s3 =	rddreg [dreg:$0x2];
	[bflag:$0x3] =	sbarrier.arrive $0xFFFF;
	s2 =	simm.s32 @!p0 $0x1C04  }
0x109: {  	[timem:s3], [sflag:s2] =	dma.local @!p0 [hbm:s0], s1  }
0x10a: {  	s0 =	simm.s32 @!p0 $0x4  }
0x10b: {  	_ =	swait.ge @!p0 [sflag:s0], s1  }
0x10c: {  	s1 =	ssub.s32 @!p0 $0x0, s1;
	[sflag:s0] =	ssyncset.done @!p0 $0x0  }
0x10d: {  	[sflag:s0] =	ssyncadd.s32 @!p0 s1  }
0x10e: {  	[bflag:$0x3] =	sbarrier.arrive $0xFFFF  }
0x10f: {  	_ =	shalt  }

</sc_bundles>
